<compile_context>
chip_gen: v7x
topology: tpu7x:2x2x1
jax: 0.10.2.dev20260603
libtpu: 0.0.44.dev20260713+nightly
codegen_flags: <defaults>
</compile_context>

<pallas_src>
import dataclasses
import functools

import jax
import jax.numpy as jnp
from jax import lax
from jax.experimental import pallas as pl
from jax.experimental.pallas import tpu as pltpu
from jax.experimental.pallas import tpu_sc as plsc

N = 100000
D = 128
H = 64
S = 512

NC = 2
NS = 16
L = 16
NW = NC * NS

P = 2
NPAD = 102400
NPP = NPAD // P
CHUNK = NPP // NW

BLK = 10240
GPP = NPP // BLK


def _mlp_body(x_ref, w1_ref, b1_ref, w2_ref, b2_ref, o_ref, *, phase):
    x = x_ref[...]
    h = jnp.dot(x, w1_ref[...], preferred_element_type=jnp.float32)
    h = h + b1_ref[...]
    h = h * jax.nn.sigmoid(h)
    r = jnp.sum(h * w2_ref[...], axis=1) + b2_ref[0, 0]
    gidx = (phase * NPP + pl.program_id(0) * BLK) + lax.iota(jnp.int32, BLK)
    o_ref[...] = jnp.where(gidx < N, r, 0.0)


def _mlp(x, w1, b1r, w2r, b2r, phase):
    return pl.pallas_call(
        functools.partial(_mlp_body, phase=phase),
        grid=(GPP,),
        in_specs=[
            pl.BlockSpec((BLK, D), lambda i: (i + phase * GPP, 0)),
            pl.BlockSpec((D, H), lambda i: (0, 0)),
            pl.BlockSpec((1, H), lambda i: (0, 0)),
            pl.BlockSpec((1, H), lambda i: (0, 0)),
            pl.BlockSpec((1, 1), lambda i: (0, 0)),
        ],
        out_specs=pl.BlockSpec((BLK,), lambda i: (i,)),
        out_shape=jax.ShapeDtypeStruct((NPP,), jnp.float32),
        compiler_params=pltpu.CompilerParams(
            dimension_semantics=("arbitrary",)),
    )(x, w1, b1r, w2r, b2r)


def _segsum(res_phase, idx_pad, phase):
    mesh = plsc.VectorSubcoreMesh(core_axis_name="c", subcore_axis_name="s")
    cp = pltpu.CompilerParams()
    if "needs_layout_passes" in pltpu.CompilerParams.__dataclass_fields__:
        cp = dataclasses.replace(cp, needs_layout_passes=False)

    @functools.partial(
        pl.kernel,
        compiler_params=cp,
        out_type=jax.ShapeDtypeStruct((NC, S), jnp.float32),
        mesh=mesh,
        scratch_types=[
            pltpu.VMEM((CHUNK,), jnp.float32),
            pltpu.VMEM((CHUNK,), jnp.int32),
            pltpu.VMEM((S,), jnp.float32),
            pltpu.VMEM((S,), jnp.int32),
            pltpu.VMEM_SHARED((S,), jnp.float32),
        ],
    )
    def k(res_hbm, idx_hbm, out_hbm, res_v, idx_v, acc_v, iota_v, shared):
        c = lax.axis_index("c")
        s = lax.axis_index("s")
        wid = c * NS + s
        pltpu.sync_copy(res_hbm.at[pl.ds(wid * CHUNK, CHUNK)], res_v)
        pltpu.sync_copy(
            idx_hbm.at[pl.ds(phase * NPP + wid * CHUNK, CHUNK)], idx_v)

        @pl.loop(0, S, step=L)
        def _zero(i):
            acc_v[pl.ds(i, L)] = jnp.zeros((L,), jnp.float32)
            iota_v[pl.ds(i, L)] = lax.iota(jnp.int32, L) + i

        @pl.when(s == 0)
        def _init_shared():
            pltpu.sync_copy(acc_v, shared)

        @pl.loop(0, CHUNK, step=L, unroll=8)
        def _scatter(i):
            plsc.addupdate_scatter(
                acc_v, [idx_v[pl.ds(i, L)]], res_v[pl.ds(i, L)])

        plsc.subcore_barrier()
        pltpu.sync_copy(acc_v, shared.at[iota_v], add=True)
        plsc.subcore_barrier()

        @pl.when(s == 0)
        def _writeout():
            pltpu.sync_copy(shared, out_hbm.at[c])

    return k(res_phase, idx_pad)


def kernel(node_scalar, batch, W1, b1, W2, b2):
    b1r = b1.reshape(1, H)
    w2r = W2.reshape(1, H)
    b2r = b2.reshape(1, 1)
    idx_flat = jnp.concatenate(
        [batch.astype(jnp.int32), jnp.zeros((NPAD - N,), jnp.int32)])
    out = jnp.zeros((S,), jnp.float32)
    for p in range(P):
        res_p = _mlp(node_scalar, W1, b1r, w2r, b2r, p)
        partials = _segsum(res_p, idx_flat, p)
        out = out + partials[0] + partials[1]
    return out

# --- scband reference (transcript-rebuilt; emitter-appended) ---
"""Pipeline reference for scband-scalar-out-44057774522748 (READ-ONLY COPY).

The authoritative reference and input builder live on the scoring server;
editing this copy changes nothing except your own understanding.
"""

import jax, jax.numpy as jnp
import numpy as np

N = 100000
D = 128
H = 64
S = 512

def setup_inputs(seed: int = 0) -> dict:
    key = jax.random.key(seed)
    k1, k2, k3, k4 = jax.random.split(key, 4)
    node_scalar = jax.random.normal(k1, (N, D), dtype=jnp.float32)
    batch = jnp.sort(jax.random.randint(k2, (N,), 0, S, dtype=jnp.int64))
    # Linear(node_dim -> hidden_dim)
    W1 = jax.random.normal(k3, (D, H), dtype=jnp.float32) * (1.0 / np.sqrt(D))
    b1 = jnp.zeros((H,), dtype=jnp.float32)
    # final Linear(hidden_dim -> 1), weight scaled by node_scale=1.0, bias = node_shift=0.0
    W2 = jax.random.normal(k4, (H, 1), dtype=jnp.float32) * (1.0 / np.sqrt(H)) * 1.0
    b2 = jnp.full((1,), 0.0, dtype=jnp.float32)
    return {"node_scalar": node_scalar, "batch": batch, "W1": W1, "b1": b1, "W2": W2, "b2": b2}

def reference(node_scalar, batch, W1, b1, W2, b2):
    # out_mlp: Linear -> SiLU -> Linear, then reshape(-1)
    h = jax.nn.silu(node_scalar @ W1 + b1)
    res = (h @ W2 + b2).reshape(-1)
    # scatter(res, batch, dim=0, reduce='sum') -> segment_sum over graphs
    out = jax.ops.segment_sum(res, batch, num_segments=S)
    return out

if __name__ == "__main__":
    import jax
    _d = setup_inputs()
    print(jax.jit(kernel)(*tuple(_d.values())))

</pallas_src>

<mosaic_0001>
#map = affine_map<(d0, d1) -> (0)>
#map1 = affine_map<(d0, d1) -> (0, 0)>
module attributes {stable_mosaic.version = 14 : i64} {
  func.func @k(%arg0: i32, %arg1: i32, %arg2: memref<51200xf32, #tpu.memory_space<hbm>>, %arg3: memref<102400xi32, #tpu.memory_space<hbm>>, %arg4: memref<2x512xf32, #tpu.memory_space<hbm>>, %arg5: memref<1600xf32, #tpu.memory_space<vmem>>, %arg6: memref<1600xi32, #tpu.memory_space<vmem>>, %arg7: memref<512xf32, #tpu.memory_space<vmem>>, %arg8: memref<512xi32, #tpu.memory_space<vmem>>, %arg9: memref<512xf32, #tpu.memory_space<vmem_shared>>) attributes {dimension_semantics = [#tpu.dimension_semantics<core_parallel>, #tpu.dimension_semantics<subcore_parallel>], iteration_bounds = array<i64: 2, 16>, scalar_prefetch = 0 : i64, scratch_operands = 5 : i64, tpu.core_type = #tpu.core_type<sc_vector_subcore>, window_params = [{transform_indices = #map}, {transform_indices = #map}, {transform_indices = #map1}]} {
    %mul3A = arith.constant 16 : i32
    %mul3A_0 = arith.muli %arg0, %mul3A : i32
    %add3A = arith.addi %mul3A_0, %arg1 : i32
    %mul3A_1 = arith.constant 1600 : i32
    %mul3A_2 = arith.muli %add3A, %mul3A_1 : i32
    "tpu.region"() ({
      %run_scoped3A = tpu.sem_alloc : memref<!tpu.dma_semaphore, #tpu.memory_space<semaphore_mem>>
      %dma_start3A = tpu.memref_slice %arg2[%mul3A_2] : memref<51200xf32, #tpu.memory_space<hbm>> -> memref<1600xf32, #tpu.memory_space<hbm>>
      %dma_start3A_63 = tpu.memref_slice %arg2[%mul3A_2] : memref<51200xf32, #tpu.memory_space<hbm>> -> memref<1600xf32, #tpu.memory_space<hbm>>
      tpu.enqueue_dma source(%dma_start3A_63 : memref<1600xf32, #tpu.memory_space<hbm>>) target(%arg5 : memref<1600xf32, #tpu.memory_space<vmem>>) target_semaphore(%run_scoped3A : memref<!tpu.dma_semaphore, #tpu.memory_space<semaphore_mem>>)
      %dma_wait3A = tpu.memref_slice %arg2[%mul3A_2] : memref<51200xf32, #tpu.memory_space<hbm>> -> memref<1600xf32, #tpu.memory_space<hbm>>
      %dma_wait3A_64 = tpu.memref_slice %arg2[%mul3A_2] : memref<51200xf32, #tpu.memory_space<hbm>> -> memref<1600xf32, #tpu.memory_space<hbm>>
      tpu.wait_dma2 semaphore(%run_scoped3A : memref<!tpu.dma_semaphore, #tpu.memory_space<semaphore_mem>>) src(%dma_wait3A_64 : memref<1600xf32, #tpu.memory_space<hbm>>) dst(%arg5 : memref<1600xf32, #tpu.memory_space<vmem>>)
      tpu.yield
    }) : () -> ()
    %mul3A_3 = arith.constant 1600 : i32
    %mul3A_4 = arith.muli %add3A, %mul3A_3 : i32
    %add3A_5 = arith.constant 51200 : i32
    %add3A_6 = arith.addi %add3A_5, %mul3A_4 : i32
    "tpu.region"() ({
      %run_scoped3A = tpu.sem_alloc : memref<!tpu.dma_semaphore, #tpu.memory_space<semaphore_mem>>
      %dma_start3A = tpu.memref_slice %arg3[%add3A_6] : memref<102400xi32, #tpu.memory_space<hbm>> -> memref<1600xi32, #tpu.memory_space<hbm>>
      %dma_start3A_63 = tpu.memref_slice %arg3[%add3A_6] : memref<102400xi32, #tpu.memory_space<hbm>> -> memref<1600xi32, #tpu.memory_space<hbm>>
      tpu.enqueue_dma source(%dma_start3A_63 : memref<1600xi32, #tpu.memory_space<hbm>>) target(%arg6 : memref<1600xi32, #tpu.memory_space<vmem>>) target_semaphore(%run_scoped3A : memref<!tpu.dma_semaphore, #tpu.memory_space<semaphore_mem>>)
      %dma_wait3A = tpu.memref_slice %arg3[%add3A_6] : memref<102400xi32, #tpu.memory_space<hbm>> -> memref<1600xi32, #tpu.memory_space<hbm>>
      %dma_wait3A_64 = tpu.memref_slice %arg3[%add3A_6] : memref<102400xi32, #tpu.memory_space<hbm>> -> memref<1600xi32, #tpu.memory_space<hbm>>
      tpu.wait_dma2 semaphore(%run_scoped3A : memref<!tpu.dma_semaphore, #tpu.memory_space<semaphore_mem>>) src(%dma_wait3A_64 : memref<1600xi32, #tpu.memory_space<hbm>>) dst(%arg6 : memref<1600xi32, #tpu.memory_space<vmem>>)
      tpu.yield
    }) : () -> ()
    %scan3A = arith.constant 0 : i32
    %scan3A_7 = arith.constant 32 : i32
    %scan3A_8 = arith.addi %scan3A, %scan3A_7 : i32
    %scan3A_9 = arith.constant 1 : i32
    scf.for %scan3A_63 = %scan3A to %scan3A_8 step %scan3A_9  : i32 {
      %mul3A_64 = arith.constant 16 : i32
      %mul3A_65 = arith.muli %scan3A_63, %mul3A_64 : i32
      %add3A_66 = arith.constant 0 : i32
      %add3A_67 = arith.addi %add3A_66, %mul3A_65 : i32
      %broadcast_in_dim3A = arith.constant 0.000000e+00 : f32
      %broadcast_in_dim3A_68 = vector.broadcast %broadcast_in_dim3A : f32 to vector<16xf32>
      %swap3A = arith.index_cast %add3A_67 : i32 to index
      %swap3A_69 = tpu.vector_load %arg7[%swap3A] {strides = array<i32>} : memref<512xf32, #tpu.memory_space<vmem>>, vector<16xf32>,
      tpu.vector_store %arg7[%swap3A], %broadcast_in_dim3A_68 {strides = array<i32>} : memref<512xf32, #tpu.memory_space<vmem>>, vector<16xf32>,
      %iota3A = tpu.iota {dimensions = array<i32: 0>} : vector<16xi32>
      %add3A_70 = vector.broadcast %add3A_67 : i32 to vector<16xi32>
      %add3A_71 = arith.addi %iota3A, %add3A_70 : vector<16xi32>
      %swap3A_72 = arith.index_cast %add3A_67 : i32 to index
      %swap3A_73 = tpu.vector_load %arg8[%swap3A_72] {strides = array<i32>} : memref<512xi32, #tpu.memory_space<vmem>>, vector<16xi32>,
      tpu.vector_store %arg8[%swap3A_72], %add3A_71 {strides = array<i32>} : memref<512xi32, #tpu.memory_space<vmem>>, vector<16xi32>,
    }
    %scan3A_10 = arith.constant 32 : i32
    %eq3A = arith.constant 0 : i32
    %eq3A_11 = arith.cmpi eq, %arg1, %eq3A : i32
    %convert_element_type3A = arith.extui %eq3A_11 : i1 to i32
    %cond3A = arith.constant 0 : i32
    %cond3A_12 = arith.cmpi ne, %convert_element_type3A, %cond3A : i32
    scf.if %cond3A_12 {
      "tpu.region"() ({
        %run_scoped3A = tpu.sem_alloc : memref<!tpu.dma_semaphore, #tpu.memory_space<semaphore_mem>>
        tpu.enqueue_dma source(%arg7 : memref<512xf32, #tpu.memory_space<vmem>>) target(%arg9 : memref<512xf32, #tpu.memory_space<vmem_shared>>) target_semaphore(%run_scoped3A : memref<!tpu.dma_semaphore, #tpu.memory_space<semaphore_mem>>)
        tpu.wait_dma2 semaphore(%run_scoped3A : memref<!tpu.dma_semaphore, #tpu.memory_space<semaphore_mem>>) src(%arg7 : memref<512xf32, #tpu.memory_space<vmem>>) dst(%arg9 : memref<512xf32, #tpu.memory_space<vmem_shared>>)
        tpu.yield
      }) : () -> ()
    } else {
    }
    %scan3A_13 = arith.constant 0 : i32
    %scan3A_14 = arith.constant 96 : i32
    %scan3A_15 = arith.addi %scan3A_13, %scan3A_14 : i32
    %scan3A_16 = arith.constant 8 : i32
    scf.for %scan3A_63 = %scan3A_13 to %scan3A_15 step %scan3A_16  : i32 {
      %mul3A_64 = arith.constant 16 : i32
      %mul3A_65 = arith.muli %scan3A_63, %mul3A_64 : i32
      %add3A_66 = arith.constant 0 : i32
      %add3A_67 = arith.addi %add3A_66, %mul3A_65 : i32
      %get3A_68 = arith.index_cast %add3A_67 : i32 to index
      %get3A_69 = tpu.vector_load %arg6[%get3A_68] {strides = array<i32>} : memref<1600xi32, #tpu.memory_space<vmem>>, vector<16xi32>,
      %get3A_70 = arith.index_cast %add3A_67 : i32 to index
      %get3A_71 = tpu.vector_load %arg5[%get3A_70] {strides = array<i32>} : memref<1600xf32, #tpu.memory_space<vmem>>, vector<16xf32>,
      tpu.vector_store_idx %arg7[%get3A_69], %get3A_71 {add = true} : memref<512xf32, #tpu.memory_space<vmem>>[vector<16xi32>], vector<16xf32>,
      %scan3A_72 = arith.constant 1 : i32
      %scan3A_73 = arith.addi %scan3A_63, %scan3A_72 : i32
      %mul3A_74 = arith.constant 16 : i32
      %mul3A_75 = arith.muli %scan3A_73, %mul3A_74 : i32
      %add3A_76 = arith.constant 0 : i32
      %add3A_77 = arith.addi %add3A_76, %mul3A_75 : i32
      %get3A_78 = arith.index_cast %add3A_77 : i32 to index
      %get3A_79 = tpu.vector_load %arg6[%get3A_78] {strides = array<i32>} : memref<1600xi32, #tpu.memory_space<vmem>>, vector<16xi32>,
      %get3A_80 = arith.index_cast %add3A_77 : i32 to index
      %get3A_81 = tpu.vector_load %arg5[%get3A_80] {strides = array<i32>} : memref<1600xf32, #tpu.memory_space<vmem>>, vector<16xf32>,
      tpu.vector_store_idx %arg7[%get3A_79], %get3A_81 {add = true} : memref<512xf32, #tpu.memory_space<vmem>>[vector<16xi32>], vector<16xf32>,
      %scan3A_82 = arith.constant 2 : i32
      %scan3A_83 = arith.addi %scan3A_63, %scan3A_82 : i32
      %mul3A_84 = arith.constant 16 : i32
      %mul3A_85 = arith.muli %scan3A_83, %mul3A_84 : i32
      %add3A_86 = arith.constant 0 : i32
      %add3A_87 = arith.addi %add3A_86, %mul3A_85 : i32
      %get3A_88 = arith.index_cast %add3A_87 : i32 to index
      %get3A_89 = tpu.vector_load %arg6[%get3A_88] {strides = array<i32>} : memref<1600xi32, #tpu.memory_space<vmem>>, vector<16xi32>,
      %get3A_90 = arith.index_cast %add3A_87 : i32 to index
      %get3A_91 = tpu.vector_load %arg5[%get3A_90] {strides = array<i32>} : memref<1600xf32, #tpu.memory_space<vmem>>, vector<16xf32>,
      tpu.vector_store_idx %arg7[%get3A_89], %get3A_91 {add = true} : memref<512xf32, #tpu.memory_space<vmem>>[vector<16xi32>], vector<16xf32>,
      %scan3A_92 = arith.constant 3 : i32
      %scan3A_93 = arith.addi %scan3A_63, %scan3A_92 : i32
      %mul3A_94 = arith.constant 16 : i32
      %mul3A_95 = arith.muli %scan3A_93, %mul3A_94 : i32
      %add3A_96 = arith.constant 0 : i32
      %add3A_97 = arith.addi %add3A_96, %mul3A_95 : i32
      %get3A_98 = arith.index_cast %add3A_97 : i32 to index
      %get3A_99 = tpu.vector_load %arg6[%get3A_98] {strides = array<i32>} : memref<1600xi32, #tpu.memory_space<vmem>>, vector<16xi32>,
      %get3A_100 = arith.index_cast %add3A_97 : i32 to index
      %get3A_101 = tpu.vector_load %arg5[%get3A_100] {strides = array<i32>} : memref<1600xf32, #tpu.memory_space<vmem>>, vector<16xf32>,
      tpu.vector_store_idx %arg7[%get3A_99], %get3A_101 {add = true} : memref<512xf32, #tpu.memory_space<vmem>>[vector<16xi32>], vector<16xf32>,
      %scan3A_102 = arith.constant 4 : i32
      %scan3A_103 = arith.addi %scan3A_63, %scan3A_102 : i32
      %mul3A_104 = arith.constant 16 : i32
      %mul3A_105 = arith.muli %scan3A_103, %mul3A_104 : i32
      %add3A_106 = arith.constant 0 : i32
      %add3A_107 = arith.addi %add3A_106, %mul3A_105 : i32
      %get3A_108 = arith.index_cast %add3A_107 : i32 to index
      %get3A_109 = tpu.vector_load %arg6[%get3A_108] {strides = array<i32>} : memref<1600xi32, #tpu.memory_space<vmem>>, vector<16xi32>,
      %get3A_110 = arith.index_cast %add3A_107 : i32 to index
      %get3A_111 = tpu.vector_load %arg5[%get3A_110] {strides = array<i32>} : memref<1600xf32, #tpu.memory_space<vmem>>, vector<16xf32>,
      tpu.vector_store_idx %arg7[%get3A_109], %get3A_111 {add = true} : memref<512xf32, #tpu.memory_space<vmem>>[vector<16xi32>], vector<16xf32>,
      %scan3A_112 = arith.constant 5 : i32
      %scan3A_113 = arith.addi %scan3A_63, %scan3A_112 : i32
      %mul3A_114 = arith.constant 16 : i32
      %mul3A_115 = arith.muli %scan3A_113, %mul3A_114 : i32
      %add3A_116 = arith.constant 0 : i32
      %add3A_117 = arith.addi %add3A_116, %mul3A_115 : i32
      %get3A_118 = arith.index_cast %add3A_117 : i32 to index
      %get3A_119 = tpu.vector_load %arg6[%get3A_118] {strides = array<i32>} : memref<1600xi32, #tpu.memory_space<vmem>>, vector<16xi32>,
      %get3A_120 = arith.index_cast %add3A_117 : i32 to index
      %get3A_121 = tpu.vector_load %arg5[%get3A_120] {strides = array<i32>} : memref<1600xf32, #tpu.memory_space<vmem>>, vector<16xf32>,
      tpu.vector_store_idx %arg7[%get3A_119], %get3A_121 {add = true} : memref<512xf32, #tpu.memory_space<vmem>>[vector<16xi32>], vector<16xf32>,
      %scan3A_122 = arith.constant 6 : i32
      %scan3A_123 = arith.addi %scan3A_63, %scan3A_122 : i32
      %mul3A_124 = arith.constant 16 : i32
      %mul3A_125 = arith.muli %scan3A_123, %mul3A_124 : i32
      %add3A_126 = arith.constant 0 : i32
      %add3A_127 = arith.addi %add3A_126, %mul3A_125 : i32
      %get3A_128 = arith.index_cast %add3A_127 : i32 to index
      %get3A_129 = tpu.vector_load %arg6[%get3A_128] {strides = array<i32>} : memref<1600xi32, #tpu.memory_space<vmem>>, vector<16xi32>,
      %get3A_130 = arith.index_cast %add3A_127 : i32 to index
      %get3A_131 = tpu.vector_load %arg5[%get3A_130] {strides = array<i32>} : memref<1600xf32, #tpu.memory_space<vmem>>, vector<16xf32>,
      tpu.vector_store_idx %arg7[%get3A_129], %get3A_131 {add = true} : memref<512xf32, #tpu.memory_space<vmem>>[vector<16xi32>], vector<16xf32>,
      %scan3A_132 = arith.constant 7 : i32
      %scan3A_133 = arith.addi %scan3A_63, %scan3A_132 : i32
      %mul3A_134 = arith.constant 16 : i32
      %mul3A_135 = arith.muli %scan3A_133, %mul3A_134 : i32
      %add3A_136 = arith.constant 0 : i32
      %add3A_137 = arith.addi %add3A_136, %mul3A_135 : i32
      %get3A_138 = arith.index_cast %add3A_137 : i32 to index
      %get3A_139 = tpu.vector_load %arg6[%get3A_138] {strides = array<i32>} : memref<1600xi32, #tpu.memory_space<vmem>>, vector<16xi32>,
      %get3A_140 = arith.index_cast %add3A_137 : i32 to index
      %get3A_141 = tpu.vector_load %arg5[%get3A_140] {strides = array<i32>} : memref<1600xf32, #tpu.memory_space<vmem>>, vector<16xf32>,
      tpu.vector_store_idx %arg7[%get3A_139], %get3A_141 {add = true} : memref<512xf32, #tpu.memory_space<vmem>>[vector<16xi32>], vector<16xf32>,
    }
    %scan3A_17 = arith.constant 96 : i32
    %scan3A_18 = arith.addi %scan3A_13, %scan3A_17 : i32
    %mul3A_19 = arith.constant 16 : i32
    %mul3A_20 = arith.muli %scan3A_18, %mul3A_19 : i32
    %add3A_21 = arith.constant 0 : i32
    %add3A_22 = arith.addi %add3A_21, %mul3A_20 : i32
    %get3A = arith.index_cast %add3A_22 : i32 to index
    %get3A_23 = tpu.vector_load %arg6[%get3A] {strides = array<i32>} : memref<1600xi32, #tpu.memory_space<vmem>>, vector<16xi32>,
    %get3A_24 = arith.index_cast %add3A_22 : i32 to index
    %get3A_25 = tpu.vector_load %arg5[%get3A_24] {strides = array<i32>} : memref<1600xf32, #tpu.memory_space<vmem>>, vector<16xf32>,
    tpu.vector_store_idx %arg7[%get3A_23], %get3A_25 {add = true} : memref<512xf32, #tpu.memory_space<vmem>>[vector<16xi32>], vector<16xf32>,
    %scan3A_26 = arith.constant 97 : i32
    %scan3A_27 = arith.addi %scan3A_13, %scan3A_26 : i32
    %mul3A_28 = arith.constant 16 : i32
    %mul3A_29 = arith.muli %scan3A_27, %mul3A_28 : i32
    %add3A_30 = arith.constant 0 : i32
    %add3A_31 = arith.addi %add3A_30, %mul3A_29 : i32
    %get3A_32 = arith.index_cast %add3A_31 : i32 to index
    %get3A_33 = tpu.vector_load %arg6[%get3A_32] {strides = array<i32>} : memref<1600xi32, #tpu.memory_space<vmem>>, vector<16xi32>,
    %get3A_34 = arith.index_cast %add3A_31 : i32 to index
    %get3A_35 = tpu.vector_load %arg5[%get3A_34] {strides = array<i32>} : memref<1600xf32, #tpu.memory_space<vmem>>, vector<16xf32>,
    tpu.vector_store_idx %arg7[%get3A_33], %get3A_35 {add = true} : memref<512xf32, #tpu.memory_space<vmem>>[vector<16xi32>], vector<16xf32>,
    %scan3A_36 = arith.constant 98 : i32
    %scan3A_37 = arith.addi %scan3A_13, %scan3A_36 : i32
    %mul3A_38 = arith.constant 16 : i32
    %mul3A_39 = arith.muli %scan3A_37, %mul3A_38 : i32
    %add3A_40 = arith.constant 0 : i32
    %add3A_41 = arith.addi %add3A_40, %mul3A_39 : i32
    %get3A_42 = arith.index_cast %add3A_41 : i32 to index
    %get3A_43 = tpu.vector_load %arg6[%get3A_42] {strides = array<i32>} : memref<1600xi32, #tpu.memory_space<vmem>>, vector<16xi32>,
    %get3A_44 = arith.index_cast %add3A_41 : i32 to index
    %get3A_45 = tpu.vector_load %arg5[%get3A_44] {strides = array<i32>} : memref<1600xf32, #tpu.memory_space<vmem>>, vector<16xf32>,
    tpu.vector_store_idx %arg7[%get3A_43], %get3A_45 {add = true} : memref<512xf32, #tpu.memory_space<vmem>>[vector<16xi32>], vector<16xf32>,
    %scan3A_46 = arith.constant 99 : i32
    %scan3A_47 = arith.addi %scan3A_13, %scan3A_46 : i32
    %mul3A_48 = arith.constant 16 : i32
    %mul3A_49 = arith.muli %scan3A_47, %mul3A_48 : i32
    %add3A_50 = arith.constant 0 : i32
    %add3A_51 = arith.addi %add3A_50, %mul3A_49 : i32
    %get3A_52 = arith.index_cast %add3A_51 : i32 to index
    %get3A_53 = tpu.vector_load %arg6[%get3A_52] {strides = array<i32>} : memref<1600xi32, #tpu.memory_space<vmem>>, vector<16xi32>,
    %get3A_54 = arith.index_cast %add3A_51 : i32 to index
    %get3A_55 = tpu.vector_load %arg5[%get3A_54] {strides = array<i32>} : memref<1600xf32, #tpu.memory_space<vmem>>, vector<16xf32>,
    tpu.vector_store_idx %arg7[%get3A_53], %get3A_55 {add = true} : memref<512xf32, #tpu.memory_space<vmem>>[vector<16xi32>], vector<16xf32>,
    %scan3A_56 = arith.constant 100 : i32
    %barrier3A = arith.constant 0 : index
    tpu.barrier barrier_id(%barrier3A)
    "tpu.region"() ({
      %run_scoped3A = tpu.sem_alloc : memref<!tpu.dma_semaphore, #tpu.memory_space<semaphore_mem>>
      %dma_start3A = arith.constant 0 : i32
      %dma_start3A_63 = tpu.memref_slice %arg9[%dma_start3A] : memref<512xf32, #tpu.memory_space<vmem_shared>> -> memref<512xf32, #tpu.memory_space<vmem_shared>>
      tpu.enqueue_indirect_dma source(%arg7 : memref<512xf32, #tpu.memory_space<vmem>>) target(%dma_start3A_63 : memref<512xf32, #tpu.memory_space<vmem_shared>>) offsets(%arg8 : memref<512xi32, #tpu.memory_space<vmem>>) semaphore(%run_scoped3A : memref<!tpu.dma_semaphore, #tpu.memory_space<semaphore_mem>>) {add = true}
      %dma_wait3A = arith.constant 0 : i32
      %dma_wait3A_64 = tpu.memref_slice %arg9[%dma_wait3A] : memref<512xf32, #tpu.memory_space<vmem_shared>> -> memref<512xf32, #tpu.memory_space<vmem_shared>>
      tpu.wait_indirect_dma semaphore(%run_scoped3A : memref<!tpu.dma_semaphore, #tpu.memory_space<semaphore_mem>>) src(%arg7 : memref<512xf32, #tpu.memory_space<vmem>>) dst(%dma_wait3A_64 : memref<512xf32, #tpu.memory_space<vmem_shared>>)
      tpu.yield
    }) : () -> ()
    %barrier3A_57 = arith.constant 0 : index
    tpu.barrier barrier_id(%barrier3A_57)
    %eq3A_58 = arith.constant 0 : i32
    %eq3A_59 = arith.cmpi eq, %arg1, %eq3A_58 : i32
    %convert_element_type3A_60 = arith.extui %eq3A_59 : i1 to i32
    %cond3A_61 = arith.constant 0 : i32
    %cond3A_62 = arith.cmpi ne, %convert_element_type3A_60, %cond3A_61 : i32
    scf.if %cond3A_62 {
      "tpu.region"() ({
        %run_scoped3A = tpu.sem_alloc : memref<!tpu.dma_semaphore, #tpu.memory_space<semaphore_mem>>
        %dma_start3A = arith.constant 0 : i32
        %dma_start3A_63 = tpu.memref_slice %arg4[%arg0, %dma_start3A] : memref<2x512xf32, #tpu.memory_space<hbm>> -> memref<1x512xf32, #tpu.memory_space<hbm>>
        %dma_start3A_64 = tpu.memref_squeeze %dma_start3A_63 : memref<1x512xf32, #tpu.memory_space<hbm>> -> memref<512xf32, #tpu.memory_space<hbm>>
        tpu.enqueue_dma source(%arg9 : memref<512xf32, #tpu.memory_space<vmem_shared>>) target(%dma_start3A_64 : memref<512xf32, #tpu.memory_space<hbm>>) target_semaphore(%run_scoped3A : memref<!tpu.dma_semaphore, #tpu.memory_space<semaphore_mem>>)
        %dma_wait3A = arith.constant 0 : i32
        %dma_wait3A_65 = tpu.memref_slice %arg4[%arg0, %dma_wait3A] : memref<2x512xf32, #tpu.memory_space<hbm>> -> memref<1x512xf32, #tpu.memory_space<hbm>>
        %dma_wait3A_66 = tpu.memref_squeeze %dma_wait3A_65 : memref<1x512xf32, #tpu.memory_space<hbm>> -> memref<512xf32, #tpu.memory_space<hbm>>
        tpu.wait_dma2 semaphore(%run_scoped3A : memref<!tpu.dma_semaphore, #tpu.memory_space<semaphore_mem>>) src(%arg9 : memref<512xf32, #tpu.memory_space<vmem_shared>>) dst(%dma_wait3A_66 : memref<512xf32, #tpu.memory_space<hbm>>)
        tpu.yield
      }) : () -> ()
    } else {
    }
    return
  }
}

#map = affine_map<(d0, d1) -> (0)>
#map1 = affine_map<(d0, d1) -> (0, 0)>
module attributes {stable_mosaic.version = 14 : i64} {
  func.func @k(%arg0: i32, %arg1: i32, %arg2: memref<51200xf32, #tpu.memory_space<hbm>>, %arg3: memref<102400xi32, #tpu.memory_space<hbm>>, %arg4: memref<2x512xf32, #tpu.memory_space<hbm>>, %arg5: memref<1600xf32, #tpu.memory_space<vmem>>, %arg6: memref<1600xi32, #tpu.memory_space<vmem>>, %arg7: memref<512xf32, #tpu.memory_space<vmem>>, %arg8: memref<512xi32, #tpu.memory_space<vmem>>, %arg9: memref<512xf32, #tpu.memory_space<vmem_shared>>) attributes {dimension_semantics = [#tpu.dimension_semantics<core_parallel>, #tpu.dimension_semantics<subcore_parallel>], iteration_bounds = array<i64: 2, 16>, scalar_prefetch = 0 : i64, scratch_operands = 5 : i64, tpu.core_type = #tpu.core_type<sc_vector_subcore>, window_params = [{transform_indices = #map}, {transform_indices = #map}, {transform_indices = #map1}]} {
    %mul3A = arith.constant 16 : i32
    %mul3A_0 = arith.muli %arg0, %mul3A : i32
    %add3A = arith.addi %mul3A_0, %arg1 : i32
    %mul3A_1 = arith.constant 1600 : i32
    %mul3A_2 = arith.muli %add3A, %mul3A_1 : i32
    "tpu.region"() ({
      %run_scoped3A = tpu.sem_alloc : memref<!tpu.dma_semaphore, #tpu.memory_space<semaphore_mem>>
      %dma_start3A = tpu.memref_slice %arg2[%mul3A_2] : memref<51200xf32, #tpu.memory_space<hbm>> -> memref<1600xf32, #tpu.memory_space<hbm>>
      %dma_start3A_63 = tpu.memref_slice %arg2[%mul3A_2] : memref<51200xf32, #tpu.memory_space<hbm>> -> memref<1600xf32, #tpu.memory_space<hbm>>
      tpu.enqueue_dma source(%dma_start3A_63 : memref<1600xf32, #tpu.memory_space<hbm>>) target(%arg5 : memref<1600xf32, #tpu.memory_space<vmem>>) target_semaphore(%run_scoped3A : memref<!tpu.dma_semaphore, #tpu.memory_space<semaphore_mem>>)
      %dma_wait3A = tpu.memref_slice %arg2[%mul3A_2] : memref<51200xf32, #tpu.memory_space<hbm>> -> memref<1600xf32, #tpu.memory_space<hbm>>
      %dma_wait3A_64 = tpu.memref_slice %arg2[%mul3A_2] : memref<51200xf32, #tpu.memory_space<hbm>> -> memref<1600xf32, #tpu.memory_space<hbm>>
      tpu.wait_dma2 semaphore(%run_scoped3A : memref<!tpu.dma_semaphore, #tpu.memory_space<semaphore_mem>>) src(%dma_wait3A_64 : memref<1600xf32, #tpu.memory_space<hbm>>) dst(%arg5 : memref<1600xf32, #tpu.memory_space<vmem>>)
      tpu.yield
    }) : () -> ()
    %mul3A_3 = arith.constant 1600 : i32
    %mul3A_4 = arith.muli %add3A, %mul3A_3 : i32
    %add3A_5 = arith.constant 0 : i32
    %add3A_6 = arith.addi %add3A_5, %mul3A_4 : i32
    "tpu.region"() ({
      %run_scoped3A = tpu.sem_alloc : memref<!tpu.dma_semaphore, #tpu.memory_space<semaphore_mem>>
      %dma_start3A = tpu.memref_slice %arg3[%add3A_6] : memref<102400xi32, #tpu.memory_space<hbm>> -> memref<1600xi32, #tpu.memory_space<hbm>>
      %dma_start3A_63 = tpu.memref_slice %arg3[%add3A_6] : memref<102400xi32, #tpu.memory_space<hbm>> -> memref<1600xi32, #tpu.memory_space<hbm>>
      tpu.enqueue_dma source(%dma_start3A_63 : memref<1600xi32, #tpu.memory_space<hbm>>) target(%arg6 : memref<1600xi32, #tpu.memory_space<vmem>>) target_semaphore(%run_scoped3A : memref<!tpu.dma_semaphore, #tpu.memory_space<semaphore_mem>>)
      %dma_wait3A = tpu.memref_slice %arg3[%add3A_6] : memref<102400xi32, #tpu.memory_space<hbm>> -> memref<1600xi32, #tpu.memory_space<hbm>>
      %dma_wait3A_64 = tpu.memref_slice %arg3[%add3A_6] : memref<102400xi32, #tpu.memory_space<hbm>> -> memref<1600xi32, #tpu.memory_space<hbm>>
      tpu.wait_dma2 semaphore(%run_scoped3A : memref<!tpu.dma_semaphore, #tpu.memory_space<semaphore_mem>>) src(%dma_wait3A_64 : memref<1600xi32, #tpu.memory_space<hbm>>) dst(%arg6 : memref<1600xi32, #tpu.memory_space<vmem>>)
      tpu.yield
    }) : () -> ()
    %scan3A = arith.constant 0 : i32
    %scan3A_7 = arith.constant 32 : i32
    %scan3A_8 = arith.addi %scan3A, %scan3A_7 : i32
    %scan3A_9 = arith.constant 1 : i32
    scf.for %scan3A_63 = %scan3A to %scan3A_8 step %scan3A_9  : i32 {
      %mul3A_64 = arith.constant 16 : i32
      %mul3A_65 = arith.muli %scan3A_63, %mul3A_64 : i32
      %add3A_66 = arith.constant 0 : i32
      %add3A_67 = arith.addi %add3A_66, %mul3A_65 : i32
      %broadcast_in_dim3A = arith.constant 0.000000e+00 : f32
      %broadcast_in_dim3A_68 = vector.broadcast %broadcast_in_dim3A : f32 to vector<16xf32>
      %swap3A = arith.index_cast %add3A_67 : i32 to index
      %swap3A_69 = tpu.vector_load %arg7[%swap3A] {strides = array<i32>} : memref<512xf32, #tpu.memory_space<vmem>>, vector<16xf32>,
      tpu.vector_store %arg7[%swap3A], %broadcast_in_dim3A_68 {strides = array<i32>} : memref<512xf32, #tpu.memory_space<vmem>>, vector<16xf32>,
      %iota3A = tpu.iota {dimensions = array<i32: 0>} : vector<16xi32>
      %add3A_70 = vector.broadcast %add3A_67 : i32 to vector<16xi32>
      %add3A_71 = arith.addi %iota3A, %add3A_70 : vector<16xi32>
      %swap3A_72 = arith.index_cast %add3A_67 : i32 to index
      %swap3A_73 = tpu.vector_load %arg8[%swap3A_72] {strides = array<i32>} : memref<512xi32, #tpu.memory_space<vmem>>, vector<16xi32>,
      tpu.vector_store %arg8[%swap3A_72], %add3A_71 {strides = array<i32>} : memref<512xi32, #tpu.memory_space<vmem>>, vector<16xi32>,
    }
    %scan3A_10 = arith.constant 32 : i32
    %eq3A = arith.constant 0 : i32
    %eq3A_11 = arith.cmpi eq, %arg1, %eq3A : i32
    %convert_element_type3A = arith.extui %eq3A_11 : i1 to i32
    %cond3A = arith.constant 0 : i32
    %cond3A_12 = arith.cmpi ne, %convert_element_type3A, %cond3A : i32
    scf.if %cond3A_12 {
      "tpu.region"() ({
        %run_scoped3A = tpu.sem_alloc : memref<!tpu.dma_semaphore, #tpu.memory_space<semaphore_mem>>
        tpu.enqueue_dma source(%arg7 : memref<512xf32, #tpu.memory_space<vmem>>) target(%arg9 : memref<512xf32, #tpu.memory_space<vmem_shared>>) target_semaphore(%run_scoped3A : memref<!tpu.dma_semaphore, #tpu.memory_space<semaphore_mem>>)
        tpu.wait_dma2 semaphore(%run_scoped3A : memref<!tpu.dma_semaphore, #tpu.memory_space<semaphore_mem>>) src(%arg7 : memref<512xf32, #tpu.memory_space<vmem>>) dst(%arg9 : memref<512xf32, #tpu.memory_space<vmem_shared>>)
        tpu.yield
      }) : () -> ()
    } else {
    }
    %scan3A_13 = arith.constant 0 : i32
    %scan3A_14 = arith.constant 96 : i32
    %scan3A_15 = arith.addi %scan3A_13, %scan3A_14 : i32
    %scan3A_16 = arith.constant 8 : i32
    scf.for %scan3A_63 = %scan3A_13 to %scan3A_15 step %scan3A_16  : i32 {
      %mul3A_64 = arith.constant 16 : i32
      %mul3A_65 = arith.muli %scan3A_63, %mul3A_64 : i32
      %add3A_66 = arith.constant 0 : i32
      %add3A_67 = arith.addi %add3A_66, %mul3A_65 : i32
      %get3A_68 = arith.index_cast %add3A_67 : i32 to index
      %get3A_69 = tpu.vector_load %arg6[%get3A_68] {strides = array<i32>} : memref<1600xi32, #tpu.memory_space<vmem>>, vector<16xi32>,
      %get3A_70 = arith.index_cast %add3A_67 : i32 to index
      %get3A_71 = tpu.vector_load %arg5[%get3A_70] {strides = array<i32>} : memref<1600xf32, #tpu.memory_space<vmem>>, vector<16xf32>,
      tpu.vector_store_idx %arg7[%get3A_69], %get3A_71 {add = true} : memref<512xf32, #tpu.memory_space<vmem>>[vector<16xi32>], vector<16xf32>,
      %scan3A_72 = arith.constant 1 : i32
      %scan3A_73 = arith.addi %scan3A_63, %scan3A_72 : i32
      %mul3A_74 = arith.constant 16 : i32
      %mul3A_75 = arith.muli %scan3A_73, %mul3A_74 : i32
      %add3A_76 = arith.constant 0 : i32
      %add3A_77 = arith.addi %add3A_76, %mul3A_75 : i32
      %get3A_78 = arith.index_cast %add3A_77 : i32 to index
      %get3A_79 = tpu.vector_load %arg6[%get3A_78] {strides = array<i32>} : memref<1600xi32, #tpu.memory_space<vmem>>, vector<16xi32>,
      %get3A_80 = arith.index_cast %add3A_77 : i32 to index
      %get3A_81 = tpu.vector_load %arg5[%get3A_80] {strides = array<i32>} : memref<1600xf32, #tpu.memory_space<vmem>>, vector<16xf32>,
      tpu.vector_store_idx %arg7[%get3A_79], %get3A_81 {add = true} : memref<512xf32, #tpu.memory_space<vmem>>[vector<16xi32>], vector<16xf32>,
      %scan3A_82 = arith.constant 2 : i32
      %scan3A_83 = arith.addi %scan3A_63, %scan3A_82 : i32
      %mul3A_84 = arith.constant 16 : i32
      %mul3A_85 = arith.muli %scan3A_83, %mul3A_84 : i32
      %add3A_86 = arith.constant 0 : i32
      %add3A_87 = arith.addi %add3A_86, %mul3A_85 : i32
      %get3A_88 = arith.index_cast %add3A_87 : i32 to index
      %get3A_89 = tpu.vector_load %arg6[%get3A_88] {strides = array<i32>} : memref<1600xi32, #tpu.memory_space<vmem>>, vector<16xi32>,
      %get3A_90 = arith.index_cast %add3A_87 : i32 to index
      %get3A_91 = tpu.vector_load %arg5[%get3A_90] {strides = array<i32>} : memref<1600xf32, #tpu.memory_space<vmem>>, vector<16xf32>,
      tpu.vector_store_idx %arg7[%get3A_89], %get3A_91 {add = true} : memref<512xf32, #tpu.memory_space<vmem>>[vector<16xi32>], vector<16xf32>,
      %scan3A_92 = arith.constant 3 : i32
      %scan3A_93 = arith.addi %scan3A_63, %scan3A_92 : i32
      %mul3A_94 = arith.constant 16 : i32
      %mul3A_95 = arith.muli %scan3A_93, %mul3A_94 : i32
      %add3A_96 = arith.constant 0 : i32
      %add3A_97 = arith.addi %add3A_96, %mul3A_95 : i32
      %get3A_98 = arith.index_cast %add3A_97 : i32 to index
      %get3A_99 = tpu.vector_load %arg6[%get3A_98] {strides = array<i32>} : memref<1600xi32, #tpu.memory_space<vmem>>, vector<16xi32>,
      %get3A_100 = arith.index_cast %add3A_97 : i32 to index
      %get3A_101 = tpu.vector_load %arg5[%get3A_100] {strides = array<i32>} : memref<1600xf32, #tpu.memory_space<vmem>>, vector<16xf32>,
      tpu.vector_store_idx %arg7[%get3A_99], %get3A_101 {add = true} : memref<512xf32, #tpu.memory_space<vmem>>[vector<16xi32>], vector<16xf32>,
      %scan3A_102 = arith.constant 4 : i32
      %scan3A_103 = arith.addi %scan3A_63, %scan3A_102 : i32
      %mul3A_104 = arith.constant 16 : i32
      %mul3A_105 = arith.muli %scan3A_103, %mul3A_104 : i32
      %add3A_106 = arith.constant 0 : i32
      %add3A_107 = arith.addi %add3A_106, %mul3A_105 : i32
      %get3A_108 = arith.index_cast %add3A_107 : i32 to index
      %get3A_109 = tpu.vector_load %arg6[%get3A_108] {strides = array<i32>} : memref<1600xi32, #tpu.memory_space<vmem>>, vector<16xi32>,
      %get3A_110 = arith.index_cast %add3A_107 : i32 to index
      %get3A_111 = tpu.vector_load %arg5[%get3A_110] {strides = array<i32>} : memref<1600xf32, #tpu.memory_space<vmem>>, vector<16xf32>,
      tpu.vector_store_idx %arg7[%get3A_109], %get3A_111 {add = true} : memref<512xf32, #tpu.memory_space<vmem>>[vector<16xi32>], vector<16xf32>,
      %scan3A_112 = arith.constant 5 : i32
      %scan3A_113 = arith.addi %scan3A_63, %scan3A_112 : i32
      %mul3A_114 = arith.constant 16 : i32
      %mul3A_115 = arith.muli %scan3A_113, %mul3A_114 : i32
      %add3A_116 = arith.constant 0 : i32
      %add3A_117 = arith.addi %add3A_116, %mul3A_115 : i32
      %get3A_118 = arith.index_cast %add3A_117 : i32 to index
      %get3A_119 = tpu.vector_load %arg6[%get3A_118] {strides = array<i32>} : memref<1600xi32, #tpu.memory_space<vmem>>, vector<16xi32>,
      %get3A_120 = arith.index_cast %add3A_117 : i32 to index
      %get3A_121 = tpu.vector_load %arg5[%get3A_120] {strides = array<i32>} : memref<1600xf32, #tpu.memory_space<vmem>>, vector<16xf32>,
      tpu.vector_store_idx %arg7[%get3A_119], %get3A_121 {add = true} : memref<512xf32, #tpu.memory_space<vmem>>[vector<16xi32>], vector<16xf32>,
      %scan3A_122 = arith.constant 6 : i32
      %scan3A_123 = arith.addi %scan3A_63, %scan3A_122 : i32
      %mul3A_124 = arith.constant 16 : i32
      %mul3A_125 = arith.muli %scan3A_123, %mul3A_124 : i32
      %add3A_126 = arith.constant 0 : i32
      %add3A_127 = arith.addi %add3A_126, %mul3A_125 : i32
      %get3A_128 = arith.index_cast %add3A_127 : i32 to index
      %get3A_129 = tpu.vector_load %arg6[%get3A_128] {strides = array<i32>} : memref<1600xi32, #tpu.memory_space<vmem>>, vector<16xi32>,
      %get3A_130 = arith.index_cast %add3A_127 : i32 to index
      %get3A_131 = tpu.vector_load %arg5[%get3A_130] {strides = array<i32>} : memref<1600xf32, #tpu.memory_space<vmem>>, vector<16xf32>,
      tpu.vector_store_idx %arg7[%get3A_129], %get3A_131 {add = true} : memref<512xf32, #tpu.memory_space<vmem>>[vector<16xi32>], vector<16xf32>,
      %scan3A_132 = arith.constant 7 : i32
      %scan3A_133 = arith.addi %scan3A_63, %scan3A_132 : i32
      %mul3A_134 = arith.constant 16 : i32
      %mul3A_135 = arith.muli %scan3A_133, %mul3A_134 : i32
      %add3A_136 = arith.constant 0 : i32
      %add3A_137 = arith.addi %add3A_136, %mul3A_135 : i32
      %get3A_138 = arith.index_cast %add3A_137 : i32 to index
      %get3A_139 = tpu.vector_load %arg6[%get3A_138] {strides = array<i32>} : memref<1600xi32, #tpu.memory_space<vmem>>, vector<16xi32>,
      %get3A_140 = arith.index_cast %add3A_137 : i32 to index
      %get3A_141 = tpu.vector_load %arg5[%get3A_140] {strides = array<i32>} : memref<1600xf32, #tpu.memory_space<vmem>>, vector<16xf32>,
      tpu.vector_store_idx %arg7[%get3A_139], %get3A_141 {add = true} : memref<512xf32, #tpu.memory_space<vmem>>[vector<16xi32>], vector<16xf32>,
    }
    %scan3A_17 = arith.constant 96 : i32
    %scan3A_18 = arith.addi %scan3A_13, %scan3A_17 : i32
    %mul3A_19 = arith.constant 16 : i32
    %mul3A_20 = arith.muli %scan3A_18, %mul3A_19 : i32
    %add3A_21 = arith.constant 0 : i32
    %add3A_22 = arith.addi %add3A_21, %mul3A_20 : i32
    %get3A = arith.index_cast %add3A_22 : i32 to index
    %get3A_23 = tpu.vector_load %arg6[%get3A] {strides = array<i32>} : memref<1600xi32, #tpu.memory_space<vmem>>, vector<16xi32>,
    %get3A_24 = arith.index_cast %add3A_22 : i32 to index
    %get3A_25 = tpu.vector_load %arg5[%get3A_24] {strides = array<i32>} : memref<1600xf32, #tpu.memory_space<vmem>>, vector<16xf32>,
    tpu.vector_store_idx %arg7[%get3A_23], %get3A_25 {add = true} : memref<512xf32, #tpu.memory_space<vmem>>[vector<16xi32>], vector<16xf32>,
    %scan3A_26 = arith.constant 97 : i32
    %scan3A_27 = arith.addi %scan3A_13, %scan3A_26 : i32
    %mul3A_28 = arith.constant 16 : i32
    %mul3A_29 = arith.muli %scan3A_27, %mul3A_28 : i32
    %add3A_30 = arith.constant 0 : i32
    %add3A_31 = arith.addi %add3A_30, %mul3A_29 : i32
    %get3A_32 = arith.index_cast %add3A_31 : i32 to index
    %get3A_33 = tpu.vector_load %arg6[%get3A_32] {strides = array<i32>} : memref<1600xi32, #tpu.memory_space<vmem>>, vector<16xi32>,
    %get3A_34 = arith.index_cast %add3A_31 : i32 to index
    %get3A_35 = tpu.vector_load %arg5[%get3A_34] {strides = array<i32>} : memref<1600xf32, #tpu.memory_space<vmem>>, vector<16xf32>,
    tpu.vector_store_idx %arg7[%get3A_33], %get3A_35 {add = true} : memref<512xf32, #tpu.memory_space<vmem>>[vector<16xi32>], vector<16xf32>,
    %scan3A_36 = arith.constant 98 : i32
    %scan3A_37 = arith.addi %scan3A_13, %scan3A_36 : i32
    %mul3A_38 = arith.constant 16 : i32
    %mul3A_39 = arith.muli %scan3A_37, %mul3A_38 : i32
    %add3A_40 = arith.constant 0 : i32
    %add3A_41 = arith.addi %add3A_40, %mul3A_39 : i32
    %get3A_42 = arith.index_cast %add3A_41 : i32 to index
    %get3A_43 = tpu.vector_load %arg6[%get3A_42] {strides = array<i32>} : memref<1600xi32, #tpu.memory_space<vmem>>, vector<16xi32>,
    %get3A_44 = arith.index_cast %add3A_41 : i32 to index
    %get3A_45 = tpu.vector_load %arg5[%get3A_44] {strides = array<i32>} : memref<1600xf32, #tpu.memory_space<vmem>>, vector<16xf32>,
    tpu.vector_store_idx %arg7[%get3A_43], %get3A_45 {add = true} : memref<512xf32, #tpu.memory_space<vmem>>[vector<16xi32>], vector<16xf32>,
    %scan3A_46 = arith.constant 99 : i32
    %scan3A_47 = arith.addi %scan3A_13, %scan3A_46 : i32
    %mul3A_48 = arith.constant 16 : i32
    %mul3A_49 = arith.muli %scan3A_47, %mul3A_48 : i32
    %add3A_50 = arith.constant 0 : i32
    %add3A_51 = arith.addi %add3A_50, %mul3A_49 : i32
    %get3A_52 = arith.index_cast %add3A_51 : i32 to index
    %get3A_53 = tpu.vector_load %arg6[%get3A_52] {strides = array<i32>} : memref<1600xi32, #tpu.memory_space<vmem>>, vector<16xi32>,
    %get3A_54 = arith.index_cast %add3A_51 : i32 to index
    %get3A_55 = tpu.vector_load %arg5[%get3A_54] {strides = array<i32>} : memref<1600xf32, #tpu.memory_space<vmem>>, vector<16xf32>,
    tpu.vector_store_idx %arg7[%get3A_53], %get3A_55 {add = true} : memref<512xf32, #tpu.memory_space<vmem>>[vector<16xi32>], vector<16xf32>,
    %scan3A_56 = arith.constant 100 : i32
    %barrier3A = arith.constant 0 : index
    tpu.barrier barrier_id(%barrier3A)
    "tpu.region"() ({
      %run_scoped3A = tpu.sem_alloc : memref<!tpu.dma_semaphore, #tpu.memory_space<semaphore_mem>>
      %dma_start3A = arith.constant 0 : i32
      %dma_start3A_63 = tpu.memref_slice %arg9[%dma_start3A] : memref<512xf32, #tpu.memory_space<vmem_shared>> -> memref<512xf32, #tpu.memory_space<vmem_shared>>
      tpu.enqueue_indirect_dma source(%arg7 : memref<512xf32, #tpu.memory_space<vmem>>) target(%dma_start3A_63 : memref<512xf32, #tpu.memory_space<vmem_shared>>) offsets(%arg8 : memref<512xi32, #tpu.memory_space<vmem>>) semaphore(%run_scoped3A : memref<!tpu.dma_semaphore, #tpu.memory_space<semaphore_mem>>) {add = true}
      %dma_wait3A = arith.constant 0 : i32
      %dma_wait3A_64 = tpu.memref_slice %arg9[%dma_wait3A] : memref<512xf32, #tpu.memory_space<vmem_shared>> -> memref<512xf32, #tpu.memory_space<vmem_shared>>
      tpu.wait_indirect_dma semaphore(%run_scoped3A : memref<!tpu.dma_semaphore, #tpu.memory_space<semaphore_mem>>) src(%arg7 : memref<512xf32, #tpu.memory_space<vmem>>) dst(%dma_wait3A_64 : memref<512xf32, #tpu.memory_space<vmem_shared>>)
      tpu.yield
    }) : () -> ()
    %barrier3A_57 = arith.constant 0 : index
    tpu.barrier barrier_id(%barrier3A_57)
    %eq3A_58 = arith.constant 0 : i32
    %eq3A_59 = arith.cmpi eq, %arg1, %eq3A_58 : i32
    %convert_element_type3A_60 = arith.extui %eq3A_59 : i1 to i32
    %cond3A_61 = arith.constant 0 : i32
    %cond3A_62 = arith.cmpi ne, %convert_element_type3A_60, %cond3A_61 : i32
    scf.if %cond3A_62 {
      "tpu.region"() ({
        %run_scoped3A = tpu.sem_alloc : memref<!tpu.dma_semaphore, #tpu.memory_space<semaphore_mem>>
        %dma_start3A = arith.constant 0 : i32
        %dma_start3A_63 = tpu.memref_slice %arg4[%arg0, %dma_start3A] : memref<2x512xf32, #tpu.memory_space<hbm>> -> memref<1x512xf32, #tpu.memory_space<hbm>>
        %dma_start3A_64 = tpu.memref_squeeze %dma_start3A_63 : memref<1x512xf32, #tpu.memory_space<hbm>> -> memref<512xf32, #tpu.memory_space<hbm>>
        tpu.enqueue_dma source(%arg9 : memref<512xf32, #tpu.memory_space<vmem_shared>>) target(%dma_start3A_64 : memref<512xf32, #tpu.memory_space<hbm>>) target_semaphore(%run_scoped3A : memref<!tpu.dma_semaphore, #tpu.memory_space<semaphore_mem>>)
        %dma_wait3A = arith.constant 0 : i32
        %dma_wait3A_65 = tpu.memref_slice %arg4[%arg0, %dma_wait3A] : memref<2x512xf32, #tpu.memory_space<hbm>> -> memref<1x512xf32, #tpu.memory_space<hbm>>
        %dma_wait3A_66 = tpu.memref_squeeze %dma_wait3A_65 : memref<1x512xf32, #tpu.memory_space<hbm>> -> memref<512xf32, #tpu.memory_space<hbm>>
        tpu.wait_dma2 semaphore(%run_scoped3A : memref<!tpu.dma_semaphore, #tpu.memory_space<semaphore_mem>>) src(%arg9 : memref<512xf32, #tpu.memory_space<vmem_shared>>) dst(%dma_wait3A_66 : memref<512xf32, #tpu.memory_space<hbm>>)
        tpu.yield
      }) : () -> ()
    } else {
    }
    return
  }
}

module attributes {stable_mosaic.version = 14 : i64} {
  func.func @_mlp_body(%arg0: i32, %arg1: memref<10240x128xf32, #tpu.memory_space<vmem>>, %arg2: memref<128x64xf32, #tpu.memory_space<vmem>>, %arg3: memref<1x64xf32, #tpu.memory_space<vmem>>, %arg4: memref<1x64xf32, #tpu.memory_space<vmem>>, %arg5: memref<1x1xf32, #tpu.memory_space<vmem>>, %arg6: memref<10240xf32, #tpu.memory_space<vmem>>) attributes {dimension_semantics = [#tpu.dimension_semantics<arbitrary>], iteration_bounds = array<i64: 5>, scalar_prefetch = 0 : i64, scratch_operands = 0 : i64, tpu.core_type = #tpu.core_type<tc>, window_params = [{transform_indices = @transform_0, window_bounds = array<i64: 10240, 128>}, {pipeline_mode = #tpu.pipeline_mode<synchronous>, transform_indices = @transform_1, window_bounds = array<i64: 128, 64>}, {pipeline_mode = #tpu.pipeline_mode<synchronous>, transform_indices = @transform_2, window_bounds = array<i64: 1, 64>}, {pipeline_mode = #tpu.pipeline_mode<synchronous>, transform_indices = @transform_3, window_bounds = array<i64: 1, 64>}, {pipeline_mode = #tpu.pipeline_mode<synchronous>, transform_indices = @transform_4, window_bounds = array<i64: 1, 1>}, {transform_indices = @transform_5, window_bounds = array<i64: 10240>}]} {
    %get3A = arith.constant 0 : index
    %get3A_0 = arith.constant 0 : index
    %get3A_1 = vector.load %arg1[%get3A, %get3A_0] : memref<10240x128xf32, #tpu.memory_space<vmem>>, vector<10240x128xf32>
    %get3A_2 = arith.constant 0 : index
    %get3A_3 = arith.constant 0 : index
    %get3A_4 = vector.load %arg2[%get3A_2, %get3A_3] : memref<128x64xf32, #tpu.memory_space<vmem>>, vector<128x64xf32>
    %dot_general3A = arith.constant dense<0.000000e+00> : vector<10240x64xf32>
    %dot_general3A_5 = tpu.matmul %get3A_1, %get3A_4, %dot_general3A {dimension_numbers = #tpu.dot_dimension_numbers<[1], [0], [0], [1], [0, 0, 1, 1], [], []>, transpose_lhs_hint = false} : vector<10240x128xf32>, vector<128x64xf32>, vector<10240x64xf32> -> vector<10240x64xf32>
    %get3A_6 = arith.constant 0 : index
    %get3A_7 = arith.constant 0 : index
    %get3A_8 = vector.load %arg3[%get3A_6, %get3A_7] : memref<1x64xf32, #tpu.memory_space<vmem>>, vector<1x64xf32>
    %add3A = vector.broadcast %get3A_8 : vector<1x64xf32> to vector<10240x64xf32>
    %add3A_9 = arith.addf %dot_general3A_5, %add3A : vector<10240x64xf32>
    %logistic3A = arith.negf %add3A_9 : vector<10240x64xf32>
    %logistic3A_10 = math.exp %logistic3A : vector<10240x64xf32>
    %logistic3A_11 = arith.constant 1.000000e+00 : f32
    %logistic3A_12 = vector.broadcast %logistic3A_11 : f32 to vector<10240x64xf32>
    %logistic3A_13 = arith.addf %logistic3A_12, %logistic3A_10 : vector<10240x64xf32>
    %logistic3A_14 = arith.divf %logistic3A_12, %logistic3A_13 : vector<10240x64xf32>
    %mul3A = arith.mulf %add3A_9, %logistic3A_14 : vector<10240x64xf32>
    %get3A_15 = arith.constant 0 : index
    %get3A_16 = arith.constant 0 : index
    %get3A_17 = vector.load %arg4[%get3A_15, %get3A_16] : memref<1x64xf32, #tpu.memory_space<vmem>>, vector<1x64xf32>
    %mul3A_18 = vector.broadcast %get3A_17 : vector<1x64xf32> to vector<10240x64xf32>
    %mul3A_19 = arith.mulf %mul3A, %mul3A_18 : vector<10240x64xf32>
    %reduce_sum3A = arith.constant dense<0.000000e+00> : vector<10240xf32>
    %reduce_sum3A_20 = vector.multi_reduction <add>, %mul3A_19, %reduce_sum3A [1] : vector<10240x64xf32> to vector<10240xf32>
    %get3A_21 = arith.constant 0 : index
    %get3A_22 = arith.constant 0 : index
    %get3A_23 = vector.load %arg5[%get3A_21, %get3A_22] : memref<1x1xf32, #tpu.memory_space<vmem>>, vector<1x1xf32>
    %get3A_24 = vector.extract %get3A_23[0, 0] : f32 from vector<1x1xf32>
    %add3A_25 = vector.broadcast %get3A_24 : f32 to vector<10240xf32>
    %add3A_26 = arith.addf %reduce_sum3A_20, %add3A_25 : vector<10240xf32>
    %mul3A_27 = arith.constant 10240 : i32
    %mul3A_28 = arith.muli %arg0, %mul3A_27 : i32
    %add3A_29 = arith.constant 51200 : i32
    %add3A_30 = arith.addi %add3A_29, %mul3A_28 : i32
    %iota3A = tpu.iota {dimensions = array<i32: 1>} : vector<1x10240xi32>
    %iota3A_31 = vector.shape_cast %iota3A : vector<1x10240xi32> to vector<10240xi32>
    %add3A_32 = vector.broadcast %add3A_30 : i32 to vector<10240xi32>
    %add3A_33 = arith.addi %add3A_32, %iota3A_31 : vector<10240xi32>
    %lt3A = arith.constant 100000 : i32
    %lt3A_34 = vector.broadcast %lt3A : i32 to vector<10240xi32>
    %lt3A_35 = arith.cmpi slt, %add3A_33, %lt3A_34 : vector<10240xi32>
    %jit3A = arith.constant 0.000000e+00 : f32
    %broadcast_in_dim3A = vector.broadcast %jit3A : f32 to vector<10240xf32>
    %select_n3A = arith.select %lt3A_35, %add3A_26, %broadcast_in_dim3A : vector<10240xi1>, vector<10240xf32>
    %swap3A = arith.constant 0 : index
    %swap3A_36 = vector.load %arg6[%swap3A] : memref<10240xf32, #tpu.memory_space<vmem>>, vector<10240xf32>
    tpu.vector_store %arg6[%swap3A], %select_n3A {strides = array<i32>} : memref<10240xf32, #tpu.memory_space<vmem>>, vector<10240xf32>,
    return
  }
  func.func @transform_0(%arg0: i32) -> (i32, i32) {
    %add3A = arith.constant 5 : i32
    %add3A_0 = arith.addi %arg0, %add3A : i32
    %c0_i32 = arith.constant 0 : i32
    %c0_i32_1 = arith.constant 0 : i32
    return %add3A_0, %c0_i32 : i32, i32
  }
  func.func @transform_1(%arg0: i32) -> (i32, i32) {
    %c0_i32 = arith.constant 0 : i32
    %c0_i32_0 = arith.constant 0 : i32
    %c0_i32_1 = arith.constant 0 : i32
    return %c0_i32, %c0_i32_0 : i32, i32
  }
  func.func @transform_2(%arg0: i32) -> (i32, i32) {
    %c0_i32 = arith.constant 0 : i32
    %c0_i32_0 = arith.constant 0 : i32
    %c0_i32_1 = arith.constant 0 : i32
    return %c0_i32, %c0_i32_0 : i32, i32
  }
  func.func @transform_3(%arg0: i32) -> (i32, i32) {
    %c0_i32 = arith.constant 0 : i32
    %c0_i32_0 = arith.constant 0 : i32
    %c0_i32_1 = arith.constant 0 : i32
    return %c0_i32, %c0_i32_0 : i32, i32
  }
  func.func @transform_4(%arg0: i32) -> (i32, i32) {
    %c0_i32 = arith.constant 0 : i32
    %c0_i32_0 = arith.constant 0 : i32
    %c0_i32_1 = arith.constant 0 : i32
    return %c0_i32, %c0_i32_0 : i32, i32
  }
  func.func @transform_5(%arg0: i32) -> i32 {
    %c0_i32 = arith.constant 0 : i32
    return %arg0 : i32
  }
}

module attributes {stable_mosaic.version = 14 : i64} {
  func.func @_mlp_body(%arg0: i32, %arg1: memref<10240x128xf32, #tpu.memory_space<vmem>>, %arg2: memref<128x64xf32, #tpu.memory_space<vmem>>, %arg3: memref<1x64xf32, #tpu.memory_space<vmem>>, %arg4: memref<1x64xf32, #tpu.memory_space<vmem>>, %arg5: memref<1x1xf32, #tpu.memory_space<vmem>>, %arg6: memref<10240xf32, #tpu.memory_space<vmem>>) attributes {dimension_semantics = [#tpu.dimension_semantics<arbitrary>], iteration_bounds = array<i64: 5>, scalar_prefetch = 0 : i64, scratch_operands = 0 : i64, tpu.core_type = #tpu.core_type<tc>, window_params = [{transform_indices = @transform_0, window_bounds = array<i64: 10240, 128>}, {pipeline_mode = #tpu.pipeline_mode<synchronous>, transform_indices = @transform_1, window_bounds = array<i64: 128, 64>}, {pipeline_mode = #tpu.pipeline_mode<synchronous>, transform_indices = @transform_2, window_bounds = array<i64: 1, 64>}, {pipeline_mode = #tpu.pipeline_mode<synchronous>, transform_indices = @transform_3, window_bounds = array<i64: 1, 64>}, {pipeline_mode = #tpu.pipeline_mode<synchronous>, transform_indices = @transform_4, window_bounds = array<i64: 1, 1>}, {transform_indices = @transform_5, window_bounds = array<i64: 10240>}]} {
    %get3A = arith.constant 0 : index
    %get3A_0 = arith.constant 0 : index
    %get3A_1 = vector.load %arg1[%get3A, %get3A_0] : memref<10240x128xf32, #tpu.memory_space<vmem>>, vector<10240x128xf32>
    %get3A_2 = arith.constant 0 : index
    %get3A_3 = arith.constant 0 : index
    %get3A_4 = vector.load %arg2[%get3A_2, %get3A_3] : memref<128x64xf32, #tpu.memory_space<vmem>>, vector<128x64xf32>
    %dot_general3A = arith.constant dense<0.000000e+00> : vector<10240x64xf32>
    %dot_general3A_5 = tpu.matmul %get3A_1, %get3A_4, %dot_general3A {dimension_numbers = #tpu.dot_dimension_numbers<[1], [0], [0], [1], [0, 0, 1, 1], [], []>, transpose_lhs_hint = false} : vector<10240x128xf32>, vector<128x64xf32>, vector<10240x64xf32> -> vector<10240x64xf32>
    %get3A_6 = arith.constant 0 : index
    %get3A_7 = arith.constant 0 : index
    %get3A_8 = vector.load %arg3[%get3A_6, %get3A_7] : memref<1x64xf32, #tpu.memory_space<vmem>>, vector<1x64xf32>
    %add3A = vector.broadcast %get3A_8 : vector<1x64xf32> to vector<10240x64xf32>
    %add3A_9 = arith.addf %dot_general3A_5, %add3A : vector<10240x64xf32>
    %logistic3A = arith.negf %add3A_9 : vector<10240x64xf32>
    %logistic3A_10 = math.exp %logistic3A : vector<10240x64xf32>
    %logistic3A_11 = arith.constant 1.000000e+00 : f32
    %logistic3A_12 = vector.broadcast %logistic3A_11 : f32 to vector<10240x64xf32>
    %logistic3A_13 = arith.addf %logistic3A_12, %logistic3A_10 : vector<10240x64xf32>
    %logistic3A_14 = arith.divf %logistic3A_12, %logistic3A_13 : vector<10240x64xf32>
    %mul3A = arith.mulf %add3A_9, %logistic3A_14 : vector<10240x64xf32>
    %get3A_15 = arith.constant 0 : index
    %get3A_16 = arith.constant 0 : index
    %get3A_17 = vector.load %arg4[%get3A_15, %get3A_16] : memref<1x64xf32, #tpu.memory_space<vmem>>, vector<1x64xf32>
    %mul3A_18 = vector.broadcast %get3A_17 : vector<1x64xf32> to vector<10240x64xf32>
    %mul3A_19 = arith.mulf %mul3A, %mul3A_18 : vector<10240x64xf32>
    %reduce_sum3A = arith.constant dense<0.000000e+00> : vector<10240xf32>
    %reduce_sum3A_20 = vector.multi_reduction <add>, %mul3A_19, %reduce_sum3A [1] : vector<10240x64xf32> to vector<10240xf32>
    %get3A_21 = arith.constant 0 : index
    %get3A_22 = arith.constant 0 : index
    %get3A_23 = vector.load %arg5[%get3A_21, %get3A_22] : memref<1x1xf32, #tpu.memory_space<vmem>>, vector<1x1xf32>
    %get3A_24 = vector.extract %get3A_23[0, 0] : f32 from vector<1x1xf32>
    %add3A_25 = vector.broadcast %get3A_24 : f32 to vector<10240xf32>
    %add3A_26 = arith.addf %reduce_sum3A_20, %add3A_25 : vector<10240xf32>
    %mul3A_27 = arith.constant 10240 : i32
    %mul3A_28 = arith.muli %arg0, %mul3A_27 : i32
    %add3A_29 = arith.constant 0 : i32
    %add3A_30 = arith.addi %add3A_29, %mul3A_28 : i32
    %iota3A = tpu.iota {dimensions = array<i32: 1>} : vector<1x10240xi32>
    %iota3A_31 = vector.shape_cast %iota3A : vector<1x10240xi32> to vector<10240xi32>
    %add3A_32 = vector.broadcast %add3A_30 : i32 to vector<10240xi32>
    %add3A_33 = arith.addi %add3A_32, %iota3A_31 : vector<10240xi32>
    %lt3A = arith.constant 100000 : i32
    %lt3A_34 = vector.broadcast %lt3A : i32 to vector<10240xi32>
    %lt3A_35 = arith.cmpi slt, %add3A_33, %lt3A_34 : vector<10240xi32>
    %jit3A = arith.constant 0.000000e+00 : f32
    %broadcast_in_dim3A = vector.broadcast %jit3A : f32 to vector<10240xf32>
    %select_n3A = arith.select %lt3A_35, %add3A_26, %broadcast_in_dim3A : vector<10240xi1>, vector<10240xf32>
    %swap3A = arith.constant 0 : index
    %swap3A_36 = vector.load %arg6[%swap3A] : memref<10240xf32, #tpu.memory_space<vmem>>, vector<10240xf32>
    tpu.vector_store %arg6[%swap3A], %select_n3A {strides = array<i32>} : memref<10240xf32, #tpu.memory_space<vmem>>, vector<10240xf32>,
    return
  }
  func.func @transform_0(%arg0: i32) -> (i32, i32) {
    %add3A = arith.constant 0 : i32
    %add3A_0 = arith.addi %arg0, %add3A : i32
    %c0_i32 = arith.constant 0 : i32
    %c0_i32_1 = arith.constant 0 : i32
    return %add3A_0, %c0_i32 : i32, i32
  }
  func.func @transform_1(%arg0: i32) -> (i32, i32) {
    %c0_i32 = arith.constant 0 : i32
    %c0_i32_0 = arith.constant 0 : i32
    %c0_i32_1 = arith.constant 0 : i32
    return %c0_i32, %c0_i32_0 : i32, i32
  }
  func.func @transform_2(%arg0: i32) -> (i32, i32) {
    %c0_i32 = arith.constant 0 : i32
    %c0_i32_0 = arith.constant 0 : i32
    %c0_i32_1 = arith.constant 0 : i32
    return %c0_i32, %c0_i32_0 : i32, i32
  }
  func.func @transform_3(%arg0: i32) -> (i32, i32) {
    %c0_i32 = arith.constant 0 : i32
    %c0_i32_0 = arith.constant 0 : i32
    %c0_i32_1 = arith.constant 0 : i32
    return %c0_i32, %c0_i32_0 : i32, i32
  }
  func.func @transform_4(%arg0: i32) -> (i32, i32) {
    %c0_i32 = arith.constant 0 : i32
    %c0_i32_0 = arith.constant 0 : i32
    %c0_i32_1 = arith.constant 0 : i32
    return %c0_i32, %c0_i32_0 : i32, i32
  }
  func.func @transform_5(%arg0: i32) -> i32 {
    %c0_i32 = arith.constant 0 : i32
    return %arg0 : i32
  }
}

</mosaic_0001>

<sc_bundles>
// kernel: kernel.6.cloned.1.call-start
scs
__scs_entry_jumppad:
0x0: {  	(pc) =	sbr.rel $0x88, $3  }
0x1: {  	(tag) =	ssettag $0x0;
	lr =	simm.s32 $0x1  }
0x2: {  	[smem:$0x3F9B] =	sst lr;
	_ =	strace $0xD0000000  }
0x3: {  	_ = 	snop  }
0x4: {  	_ = 	snop  }
0x5: {  	_ = 	snop  }
0x6: {  	_ = 	snop  }
0x7: {  	_ = 	snop  }
__scs_overlays_trampoline_lowered:
0x8: {  	[smem:$0x3FAA] =	sst s0  }
0x9: {  	[smem:$0x3FAB] =	sst s1  }
0xa: {  	[smem:$0x3FAC] =	sst s2  }
0xb: {  	[smem:$0x3FAD] =	sst s3  }
0xc: {  	[smem:$0x3FAE] =	sst s4  }
0xd: {  	[smem:$0x3FAF] =	sst s5  }
0xe: {  	[smem:$0x3FB0] =	sst s6  }
0xf: {  	[smem:$0x3FB1] =	sst s7  }
0x10: {  	[smem:$0x3FB2] =	sst s8  }
0x11: {  	[smem:$0x3FB3] =	sst s9;
	s0 =	simm.s32 @!p0 $0x0  }
0x12: {  	s1 =	sld [smem:$0x3F99];
	s0 =	simm.s32 @p0 $0x1  }
0x13: {  	[smem:$0x3FB4] =	sst s0;
	s0 =	simm.s32 @!p1 $0x0  }
0x14: {  	s2 =	sld [smem:$0x3F98];
	s0 =	simm.s32 @p1 $0x1  }
0x15: {  	[smem:$0x3FB5] =	sst s0;
	s0 =	simm.s32 @!p2 $0x0  }
0x16: {  	s3 =	sld [smem:$0x3FDB];
	s0 =	simm.s32 @p2 $0x1  }
0x17: {  	s4 =	simm.s32 $0x1BF5;
	[smem:$0x3FB7] =	sst s0  }
0x18: {  	s0 =	sld [smem:$0x3F9A];
	_ =	swait.ge [sflag:s4], $0x0  }
0x19: {  	s7 =	sld [smem:$0x3F9B]  }
0x1a: {  	s8 =	sadd.s32 $0xFFFFE003, lr  }
0x1b: {  	s9 =	sadd.s32 $0xFFFFFEF7, lr;
	s5 =	simm.s32 $0xFFFFFFFF;
	p2 =	slt.u32 s8, $0xFFFFF086  }
0x1c: {  	p1 =	slt.u32 s9, $0xF7A;
	s5 =	simm.s32 @!p2 $0x0  }
0x1d: {  	s5 =	simm.s32 @p1 $0x1;
	p0 =	seq.s32 s7, s2  }
0x1e: {  	s7 =	smul.u32 @!p0 $0xF7A, s2;
	p2 =	seq.s32 @!p0 s5, $0x0  }
0x1f: {  	s9 =	smul.u32 $0xF7A, s1;
	s8 =	simm.s32 @!p0 $0x1BF5;
	p2 =	por !p2, p0  }
0x20: {  	[sflag:s8] =	ssyncset.s32 @!p0 $0xFFFFF086;
	s6 =	sadd.s32 @!p0 s3, s7;
	s7 =	simm.s32 @!p0 $0x108  }
0x21: {  	s3 =	sadd.s32 s3, s9;
	s6 =	sadd.s32 @!p0 $0x88, s6;
	s7 =	simm.s32 @p2 $0x1082  }
0x22: {  	[simem:s7], [sflag:s8] =	dma.local @!p0 [hbm:s6], $0xF7A  }
0x23: {  	s9 =	sor.u32 $0xD0000000, s2;
	s6 =	simm.s32 $0x108;
	_ =	swait.ge @!p0 [sflag:s8], $0x0  }
0x24: {  	s3 =	sadd.s32 $0x88, s3;
	s6 =	simm.s32 @!p1 $0x1082;
	[sflag:s4] =	ssyncset.s32 $0xFFFFF086  }
0x25: {  	[simem:s6], [sflag:s4] =	dma.local [hbm:s3], $0xF7A  }
0x26: {  	[smem:$0x3F9B] =	sst s1;
	(tag) =	ssettag s2;
	_ =	strace s9  }
0x27: {  	s1 =	sld [smem:$0x3FAB]  }
0x28: {  	s2 =	sld [smem:$0x3FAC]  }
0x29: {  	s4 =	sld [smem:$0x3FAE]  }
0x2a: {  	p0 =	seq.s32 s5, $0x0;
	s5 =	sld [smem:$0x3FAF]  }
0x2b: {  	s6 =	sld [smem:$0x3FB0]  }
0x2c: {  	s7 =	sld [smem:$0x3FB1]  }
0x2d: {  	s3 =	simm.s32 $0x108;
	s8 =	sld [smem:$0x3FB2]  }
0x2e: {  	s3 =	simm.s32 @!p0 $0x1082;
	s9 =	sld [smem:$0x3FB3]  }
0x2f: {  	lr =	sadd.s32 s0, s3;
	s0 =	sld [smem:$0x3FAA]  }
0x30: {  	s3 =	sld [smem:$0x3FAD]  }
0x31: {  	[smem:$0x3FB6] =	sst s10  }
0x32: {  	s10 =	sld [smem:$0x3FB4];
	_ =	sdelay $0x3  }
0x33: {  	p0 =	seq.s32 s10, $0x1;
	s10 =	sld [smem:$0x3FB6];
	_ =	sdelay $0x3  }
0x34: {  	[smem:$0x3FB6] =	sst s10  }
0x35: {  	s10 =	sld [smem:$0x3FB5];
	_ =	sdelay $0x3  }
0x36: {  	p1 =	seq.s32 s10, $0x1;
	s10 =	sld [smem:$0x3FB6];
	_ =	sdelay $0x3  }
0x37: {  	[smem:$0x3FB6] =	sst s10  }
0x38: {  	s10 =	sld [smem:$0x3FB7]  }
0x39: {  	_ = 	snop;
	(pc) =	sbr.ind lr, $3  }
0x3a: {  	_ = 	snop  }
0x3b: {  	_ = 	snop  }
0x3c: {  	p2 =	seq.s32 s10, $0x1;
	s10 =	sld [smem:$0x3FB6]  }
0x3d: {  	_ =	shalt  }
0x3e: {  	_ =	shalt  }
0x3f: {  	_ =	shalt  }
0x40: {  	_ =	shalt  }
0x41: {  	_ =	shalt  }
0x42: {  	_ =	shalt  }
0x43: {  	_ =	shalt  }
0x44: {  	_ =	shalt  }
0x45: {  	_ =	shalt  }
0x46: {  	_ =	shalt  }
0x47: {  	_ =	shalt  }
0x48: {  	_ =	shalt  }
0x49: {  	_ =	shalt  }
0x4a: {  	_ =	shalt  }
0x4b: {  	_ =	shalt  }
0x4c: {  	_ =	shalt  }
0x4d: {  	_ =	shalt  }
0x4e: {  	_ =	shalt  }
0x4f: {  	_ =	shalt  }
0x50: {  	_ =	shalt  }
0x51: {  	_ =	shalt  }
0x52: {  	_ =	shalt  }
0x53: {  	_ =	shalt  }
0x54: {  	_ =	shalt  }
0x55: {  	_ =	shalt  }
0x56: {  	_ =	shalt  }
0x57: {  	_ =	shalt  }
0x58: {  	_ =	shalt  }
0x59: {  	_ =	shalt  }
0x5a: {  	_ =	shalt  }
0x5b: {  	_ =	shalt  }
0x5c: {  	_ =	shalt  }
0x5d: {  	_ =	shalt  }
0x5e: {  	_ =	shalt  }
0x5f: {  	_ =	shalt  }
0x60: {  	_ =	shalt  }
0x61: {  	_ =	shalt  }
0x62: {  	_ =	shalt  }
0x63: {  	_ =	shalt  }
0x64: {  	_ =	shalt  }
0x65: {  	_ =	shalt  }
0x66: {  	_ =	shalt  }
0x67: {  	_ =	shalt  }
0x68: {  	_ =	shalt  }
0x69: {  	_ =	shalt  }
0x6a: {  	_ =	shalt  }
0x6b: {  	_ =	shalt  }
0x6c: {  	_ =	shalt  }
0x6d: {  	_ =	shalt  }
0x6e: {  	_ =	shalt  }
0x6f: {  	_ =	shalt  }
0x70: {  	_ =	shalt  }
0x71: {  	_ =	shalt  }
0x72: {  	_ =	shalt  }
0x73: {  	_ =	shalt  }
0x74: {  	_ =	shalt  }
0x75: {  	_ =	shalt  }
0x76: {  	_ =	shalt  }
0x77: {  	_ =	shalt  }
0x78: {  	_ =	shalt  }
0x79: {  	_ =	shalt  }
0x7a: {  	_ =	shalt  }
0x7b: {  	_ =	shalt  }
0x7c: {  	_ =	shalt  }
0x7d: {  	_ =	shalt  }
0x7e: {  	_ =	shalt  }
0x7f: {  	_ =	shalt  }
0x80: {  	_ =	shalt  }
0x81: {  	_ =	shalt  }
0x82: {  	_ =	shalt  }
0x83: {  	_ =	shalt  }
0x84: {  	_ =	shalt  }
0x85: {  	_ =	shalt  }
0x86: {  	_ =	shalt  }
0x87: {  	_ =	shalt  }
.Lfunc_end0:
.L_simem_size_0:
called_computation_lowered:
.L_overlay_start_0:
0x88: {  	s2 =	sld [smem:$0x3FD9]  }
0x89: {  	s3 =	sld [smem:$0x3FFE];
	_ =	sdelay $0x1  }
0x8a: {  	s1 =	srdreg.scid  }
0x8b: {  	s0 =	sand.u32 $0x1, s1  }
0x8c: {  	s16 =	sshll.u32 s0, $0xA;
	s2 =	sadd.s32 s3, s2  }
0x8d: {  	s2 =	sadd.s32 s2, s16  }
0x8e: {  	[smem:$0x3FC2] =	sst s2  }
0x8f: {  	_ = 	snop  }
0x90: {  	(tm) =	ssettm $0x1  }
0x91: {  	s17 =	sld [smem:$0x3FFB];
	_ =	sdelay $0x3  }
0x92: {  	_ =	strace s17  }
0x93: {  	s2 =	sld [smem:$0x3FFC];
	_ =	sdelay $0x3  }
0x94: {  	_ =	strace s2  }
0x95: {  	s2 =	sld [smem:$0x3FFD];
	_ =	sdelay $0x3  }
0x96: {  	_ =	strace s2  }
0x97: {  	_ =	strace $0x8FFFFFFF  }
0x98: {  	s18 =	sld [smem:$0x3FDB];
	_ =	sdelay $0x1  }
0x99: {  	s19 =	simm.s32 $_scs_section_size  }
0x9a: {  	s4 =	simm.s32 $_size__tile_overlayer_lowered;
	s5 =	simm.s32 $_tile_overlayer_lowered  }
0x9b: {  	s22 =	simm.s32 $0x1BFF;
	s21 =	sshll.u32 s5, $0x1;
	s2 =	sadd.s32 s19, s18  }
0x9c: {  	s6 =	simm.s32 $0x0;
	s20 =	sshll.u32 s4, $0x1;
	s4 =	sadd.s32 s21, s2  }
0x9d: {  	[timem:s6], [sflag:s22] =	dma.local [hbm:s4], s20  }
0x9e: {  	_ =	swait.ge [sflag:s22], s20  }
0x9f: {  	s3 =	ssub.s32 $0x0, s20;
	[sflag:s22] =	ssyncset.done $0x0  }
0xa0: {  	[sflag:s22] =	ssyncadd.s32 s3;
	_ =	sdelay $0x1  }
0xa1: {  	s23 =	simm.s32 $0x1B8B  }
0xa2: {  	_ =	swait.ge [sflag:s23], $0x1  }
0xa3: {  	[sflag:s23] =	ssyncset.done $0x0  }
0xa4: {  	s25 =	simm.s32 $0x1B8E;
	s24 =	sld [smem:$0x3FFE];
	[sflag:s23] =	ssyncadd.s32 $0xFFFFFFFF  }
0xa5: {  	s26 =	simm.s32 $execute0_lowered;
	[smem:$0x3FD2] =	sst s25  }
0xa6: {  	s4 =	sshll.u32 s26, $0x1;
	_ =	strace $0x80000046;
	[dreg:$0x1] =	wrdreg $0xFFFFFFFF  }
0xa7: {  	s28 =	simm.s32 $_size_execute0_lowered;
	s2 =	sadd.s32 s2, s4;
	[dreg:$0x0] =	wrdreg $0x0  }
0xa8: {  	s4 =	sshll.u32 s28, $0x1;
	[dreg:$0x2] =	wrdreg s2  }
0xa9: {  	[dreg:$0x3] =	wrdreg s4  }
0xaa: {  	[dreg:$0x4] =	wrdreg $0xC0  }
0xab: {  	_ =	task [dreg:s6], $0x5FFFF  }
0xac: {  	[dreg:$0x1] =	wrdreg $0xFFFFFFFF  }
0xad: {  	[dreg:$0x0] =	wrdreg $0x60  }
0xae: {  	[dreg:$0x2] =	wrdreg s24  }
0xaf: {  	[dreg:$0x3] =	wrdreg $0x11000  }
0xb0: {  	[dreg:$0x4] =	wrdreg $0x9  }
0xb1: {  	_ =	task.clear_ibuf [dreg:s6], $0x5FFFF;
	_ =	strace $0x90000046  }
0xb2: {  	s29 =	simm.s32 $0x9;
	_ =	strace $0x80000048  }
0xb3: {  	_ =	swait.ge [sflag:s29], $0x1  }
0xb4: {  	[sflag:s29] =	ssyncadd.s32 $0xFFFFFFFF  }
0xb5: {  	_ =	strace $0x90000048  }
0xb6: {  	_ =	sfence  }
0xb7: {  	s30 =	sld [smem:$0x0];
	_ =	sdelay $0x2  }
0xb8: {  	s31 =	sshll.u32 s1, $0xD;
	s1 =	sshrl.u32 s1, $0x2  }
0xb9: {  	s3 =	sand.u32 $0x4000, s31;
	s1 =	sadd.s32 s1, s30  }
0xba: {  	s0 =	sor.u32 s3, s0;
	s1 =	sshll.u32 s1, $0x11  }
0xbb: {  	s0 =	sor.u32 s1, s0  }
0xbc: {  	s0 =	sadd.s32 $0x8F2B, s0  }
0xbd: {  	[sflag:s0] =	ssyncadd.remote.s32 $0x1  }
0xbe: {  	_ =	sfence.sel $0xFFFF  }
0xbf: {  	[dreg:$0x0] =	wrdreg $0xFFFFFFFF;
	(pc) =	sbr.abs _section_cstart, $3  }
0xc0: {  	[dreg:$0x1] =	wrdreg $0xFFFFFFFF  }
0xc1: {  	_ =	task.clear_ibuf [dreg:s6], $0x2FFFF;
	_ =	strace $0x9FFFFFFF  }
0xc2: {  	(tm) =	ssettm $0x7FFFFFFF  }
0xc3: {  	_ =	shalt  }
tec
execute0_lowered:
.L_overlay_start_1:
0x0: {  	(tag) =	ssettag $0x1  }
0x1: {  	s0 =	srdreg.scid;
	s3 =	rddreg [dreg:$0x0]  }
0x2: {  	s1 =	rddreg [dreg:$0x1];
	s9 =	stileid.u32  }
0x3: {  	s2 =	simm.s32 $0x0;
	s8 =	simm.s32 $0x680;
	s4 =	sand.u32 $0x1, s0  }
0x4: {  	s10 =	simm.s32 $0x200;
	s11 =	simm.s32 $0xF00;
	s5 =	sshll.u32 s4, $0x4  }
0x5: {  	s12 =	simm.s32 $0x0;
	s0 =	rddreg [dreg:$0x2];
	s6 =	sor.u32 s9, s5  }
0x6: {  	[smem:$0x7FF] =	sst s2;
	p0 =	sne.s32 s9, $0x0;
	s6 =	smul.u32 $0xC8, s6  }
0x7: {  	_ =	strace $0x80000047;
	s4 =	ssub.s32 $0x2, s4;
	s5 =	sadd.s32 s5, s3  }
0x8: {  	s31 =	sshrl.u32 s4, $0x1;
	s9 =	simm.s32 $0xD00;
	s6 =	sadd.s32 s6, s3  }
0x9: {  	s7 =	ssub.s32 s4, s31;
	s5 =	sadd.s32 $0x5C00, s5;
	s3 =	sadd.s32 $0x4200, s6  }
0xa: {  	v0 =	vimm.f32 $0.0e+00;
	v1 =	vlaneseq.u32;
	s4 =	sadd.s32 $0x1000, s6;
	s6 =	smax.u32 s7, $0x1;
	s7 =	simm.s32 $0x1  }
.LBB2_1:
0xb: {  	[tilespmem:s2], [sflag:$0x1] =	stream.linear.gather [hbm4b:s3+s2], $0x640, $0x38;
	[tilespmem:$0x1120] =	vst v63  }
0xc: {  	_ =	swait.ge [sflag:s7], $0x640  }
0xd: {  	[sflag:s7] =	ssyncset.done $0x0  }
0xe: {  	[sflag:s7] =	ssyncadd.s32 $0xFFFFF9C0  }
0xf: {  	[tilespmem:s8], [sflag:$0x1] =	stream.linear.gather [hbm4b:s4+s2], $0x640, $0x38;
	[tilespmem:$0x1120] =	vst v63  }
0x10: {  	_ =	swait.ge [sflag:s7], $0x640  }
0x11: {  	[sflag:s7] =	ssyncset.done $0x0  }
0x12: {  	[sflag:s7] =	ssyncadd.s32 $0xFFFFF9C0  }
0x13: {  	v2 =	vor.u32 s2, v1;
	[tilespmem:s9+$0x0] =	vst v0  }
0x14: {  	s13 =	simm.s32 $0x10;
	s14 =	simm.s32 $0xD10;
	s15 =	simm.s32 $0xF00;
	[tilespmem:s11+$0x0] =	vst v2  }
.LBB2_2:
0x15: {  	[tilespmem:s14+$0x0] =	vst v0;
	v2 =	vor.u32 s13, v1;
	p1 =	sne.s32 s13, $0x1F0;
	s13 =	sadd.s32 $0x10, s13;
	s15 =	sadd.s32 $0x10, s15  }
.Ltmp0:
0x16: {  	[tilespmem:s15+$0x0] =	vst v2;
	(pc) =	sbr.rel @p1 .LBB2_2-.Ltmp0, $2  }
0x17: {  	_ =	sdelay $0x2  }
0x18: {  	s14 =	sadd.s32 $0x10, s14  }
0x19: {  	s13 =	simm.s32 @!p0 $0xD00  }
0x1a: {  	[spmem:s1] =	stream.linear.scatter @!p0 [tilespmem:s13], [sflag:$0x1], $0x200, $0x38;
	[tilespmem:$0x1120] =	vst v63  }
0x1b: {  	s13 =	simm.s32 @!p0 $0x1  }
0x1c: {  	_ =	swait.ge @!p0 [sflag:s13], $0x200  }
0x1d: {  	s14 =	simm.s32 $0x6C0;
	[sflag:s13] =	ssyncset.done @!p0 $0x0  }
0x1e: {  	s15 =	simm.s32 $0x40;
	[sflag:s13] =	ssyncadd.s32 @!p0 $0xFFFFFE00;
	s13 =	simm.s32 $0xFFFFFFF8  }
.LBB2_4:
0x1f: {  	v2 =	vld [tilespmem:s14+$0xFFFFFFC0];
	_ =	sdelay $0x2  }
0x20: {  	v3 =	vld [tilespmem:s15+$0xFFFFFFC0];
	_ =	sdelay $0x4  }
0x21: {  	[tilespmem:v2+s9+$0x0] =	vst.idx.add.f32.msk $0xffff, v3  }
0x22: {  	v2 =	vld [tilespmem:s14+$0xFFFFFFD0];
	_ =	sdelay $0x2  }
0x23: {  	v3 =	vld [tilespmem:s15+$0xFFFFFFD0];
	_ =	sdelay $0x4  }
0x24: {  	[tilespmem:v2+s9+$0x0] =	vst.idx.add.f32.msk $0xffff, v3  }
0x25: {  	v2 =	vld [tilespmem:s14+$0xFFFFFFE0];
	_ =	sdelay $0x2  }
0x26: {  	v3 =	vld [tilespmem:s15+$0xFFFFFFE0];
	_ =	sdelay $0x4  }
0x27: {  	[tilespmem:v2+s9+$0x0] =	vst.idx.add.f32.msk $0xffff, v3  }
0x28: {  	v2 =	vld [tilespmem:s14+$0xFFFFFFF0];
	_ =	sdelay $0x2  }
0x29: {  	v3 =	vld [tilespmem:s15+$0xFFFFFFF0];
	_ =	sdelay $0x4  }
0x2a: {  	[tilespmem:v2+s9+$0x0] =	vst.idx.add.f32.msk $0xffff, v3  }
0x2b: {  	v2 =	vld [tilespmem:s14+$0x0];
	_ =	sdelay $0x2  }
0x2c: {  	v3 =	vld [tilespmem:s15+$0x0];
	_ =	sdelay $0x4  }
0x2d: {  	[tilespmem:v2+s9+$0x0] =	vst.idx.add.f32.msk $0xffff, v3  }
0x2e: {  	v2 =	vld [tilespmem:s14+$0x10];
	_ =	sdelay $0x2  }
0x2f: {  	v3 =	vld [tilespmem:s15+$0x10];
	_ =	sdelay $0x4  }
0x30: {  	[tilespmem:v2+s9+$0x0] =	vst.idx.add.f32.msk $0xffff, v3  }
0x31: {  	v2 =	vld [tilespmem:s14+$0x20];
	_ =	sdelay $0x2  }
0x32: {  	v3 =	vld [tilespmem:s15+$0x20];
	_ =	sdelay $0x4  }
0x33: {  	[tilespmem:v2+s9+$0x0] =	vst.idx.add.f32.msk $0xffff, v3  }
0x34: {  	v2 =	vld [tilespmem:s14+$0x30];
	_ =	sdelay $0x1  }
0x35: {  	s13 =	sadd.s32 $0x8, s13  }
0x36: {  	p1 =	slt.u32 s13, $0x58;
	v3 =	vld [tilespmem:s15+$0x30]  }
.Ltmp1:
0x37: {  	_ = 	snop;
	(pc) =	sbr.rel @p1 .LBB2_4-.Ltmp1, $2  }
0x38: {  	_ =	sdelay $0x2  }
0x39: {  	s14 =	sadd.s32 $0x80, s14;
	s15 =	sadd.s32 $0x80, s15;
	[tilespmem:v2+s9+$0x0] =	vst.idx.add.f32.msk $0xffff, v3  }
0x3a: {  	v2 =	vld [tilespmem:$0xC80];
	_ =	sdelay $0x2  }
0x3b: {  	v3 =	vld [tilespmem:$0x600];
	_ =	sdelay $0x4  }
0x3c: {  	[tilespmem:v2+s9+$0x0] =	vst.idx.add.f32.msk $0xffff, v3  }
0x3d: {  	v2 =	vld [tilespmem:$0xC90];
	_ =	sdelay $0x2  }
0x3e: {  	v3 =	vld [tilespmem:$0x610];
	_ =	sdelay $0x4  }
0x3f: {  	[tilespmem:v2+s9+$0x0] =	vst.idx.add.f32.msk $0xffff, v3  }
0x40: {  	v2 =	vld [tilespmem:$0xCA0];
	_ =	sdelay $0x2  }
0x41: {  	v3 =	vld [tilespmem:$0x620];
	_ =	sdelay $0x4  }
0x42: {  	[tilespmem:v2+s9+$0x0] =	vst.idx.add.f32.msk $0xffff, v3  }
0x43: {  	v2 =	vld [tilespmem:$0xCB0];
	_ =	sdelay $0x2  }
0x44: {  	v3 =	vld [tilespmem:$0x630];
	_ =	sdelay $0x4  }
0x45: {  	[tilespmem:v2+s9+$0x0] =	vst.idx.add.f32.msk $0xffff, v3  }
0x46: {  	[bflag:$0x0] =	sbarrier.arrive $0xFFFF  }
0x47: {  	[spmem:s1] =	stream.indirect.scatter.add.f32 [tilespmem:s9], [sflag:$0x1], $0x1, s11, s10, $0xb8;
	[tilespmem:$0x1120] =	vst v63  }
0x48: {  	s13 =	sshrl.u32 @!p0 s1, $0x3;
	s14 =	simm.s32 @!p0 $0x1;
	_ =	swait.ge [sflag:s7], $0x200  }
0x49: {  	s15 =	simm.s32 @!p0 $0x20;
	s12 =	sadd.s32 $0x1, s12;
	[sflag:s7] =	ssyncset.done $0x0  }
0x4a: {  	s16 =	simm.s32 @!p0 $0x10;
	p1 =	sne.s32 s12, s6;
	[sflag:s7] =	ssyncadd.s32 $0xFFFFFE00  }
.Ltmp2:
0x4b: {  	s17 =	simm.s32 @!p0 $0x1C01;
	[bflag:$0x0] =	sbarrier.arrive $0xFFFF;
	(pc) =	sbr.rel @p1 .LBB2_1-.Ltmp2, $4  }
0x4c: {  	[hbm:s5@s15], [sflag:s17] =	dma.strided @!p0 [spmem:s13@s16], $0x40, s14, $0x10   }
0x4d: {  	_ =	swait.ge @!p0 [sflag:s14], $0x40  }
0x4e: {  	[sflag:s14] =	ssyncset.done @!p0 $0x0  }
0x4f: {  	[sflag:s14] =	ssyncadd.s32 @!p0 $0xFFFFFFC0  }
0x50: {  	_ =	sfence.sel $0x180000  }
0x51: {  	[bflag:$0x0] =	sbarrier.arrive $0xFFFF  }
0x52: {  	_ =	strace $0x90000047  }
0x53: {  	s0 =	sadd.s32 @!p0 $0x100000, s0;
	[bflag:$0x2] =	sbarrier.arrive $0xFFFF  }
0x54: {  	[sflag:s0] =	ssyncadd.tile.s32 @!p0 $0x1;
	_ =	shalt  }
.Lfunc_end2:
_tile_overlayer_lowered:
.L_overlay_start_2:
0x55: {  	(tag) =	ssettag $0x2  }
0x56: {  	s0 =	rddreg [dreg:$0x0];
	s2 =	stileid.u32  }
0x57: {  	s1 =	rddreg [dreg:$0x1];
	p0 =	sne.s32 s2, $0x0  }
0x58: {  	s3 =	rddreg [dreg:$0x2];
	[bflag:$0x3] =	sbarrier.arrive $0xFFFF;
	s2 =	simm.s32 @!p0 $0x1C01  }
0x59: {  	[timem:s3], [sflag:s2] =	dma.local @!p0 [hbm:s0], s1  }
0x5a: {  	s0 =	simm.s32 @!p0 $0x1  }
0x5b: {  	_ =	swait.ge @!p0 [sflag:s0], s1  }
0x5c: {  	s1 =	ssub.s32 @!p0 $0x0, s1;
	[sflag:s0] =	ssyncset.done @!p0 $0x0  }
0x5d: {  	[sflag:s0] =	ssyncadd.s32 @!p0 s1  }
0x5e: {  	[bflag:$0x3] =	sbarrier.arrive $0xFFFF  }
0x5f: {  	_ =	shalt  }

// kernel: kernel.9.cloned.1.call-start
scs
__scs_entry_jumppad:
0x0: {  	(pc) =	sbr.rel $0x88, $3  }
0x1: {  	(tag) =	ssettag $0x0;
	lr =	simm.s32 $0x1  }
0x2: {  	[smem:$0x3F9B] =	sst lr;
	_ =	strace $0xD0000000  }
0x3: {  	_ = 	snop  }
0x4: {  	_ = 	snop  }
0x5: {  	_ = 	snop  }
0x6: {  	_ = 	snop  }
0x7: {  	_ = 	snop  }
__scs_overlays_trampoline_lowered:
0x8: {  	[smem:$0x3FAA] =	sst s0  }
0x9: {  	[smem:$0x3FAB] =	sst s1  }
0xa: {  	[smem:$0x3FAC] =	sst s2  }
0xb: {  	[smem:$0x3FAD] =	sst s3  }
0xc: {  	[smem:$0x3FAE] =	sst s4  }
0xd: {  	[smem:$0x3FAF] =	sst s5  }
0xe: {  	[smem:$0x3FB0] =	sst s6  }
0xf: {  	[smem:$0x3FB1] =	sst s7  }
0x10: {  	[smem:$0x3FB2] =	sst s8  }
0x11: {  	[smem:$0x3FB3] =	sst s9;
	s0 =	simm.s32 @!p0 $0x0  }
0x12: {  	s1 =	sld [smem:$0x3F99];
	s0 =	simm.s32 @p0 $0x1  }
0x13: {  	[smem:$0x3FB4] =	sst s0;
	s0 =	simm.s32 @!p1 $0x0  }
0x14: {  	s2 =	sld [smem:$0x3F98];
	s0 =	simm.s32 @p1 $0x1  }
0x15: {  	[smem:$0x3FB5] =	sst s0;
	s0 =	simm.s32 @!p2 $0x0  }
0x16: {  	s3 =	sld [smem:$0x3FDB];
	s0 =	simm.s32 @p2 $0x1  }
0x17: {  	s4 =	simm.s32 $0x1BF5;
	[smem:$0x3FB7] =	sst s0  }
0x18: {  	s0 =	sld [smem:$0x3F9A];
	_ =	swait.ge [sflag:s4], $0x0  }
0x19: {  	s7 =	sld [smem:$0x3F9B]  }
0x1a: {  	s8 =	sadd.s32 $0xFFFFE003, lr  }
0x1b: {  	s9 =	sadd.s32 $0xFFFFFEF7, lr;
	s5 =	simm.s32 $0xFFFFFFFF;
	p2 =	slt.u32 s8, $0xFFFFF086  }
0x1c: {  	p1 =	slt.u32 s9, $0xF7A;
	s5 =	simm.s32 @!p2 $0x0  }
0x1d: {  	s5 =	simm.s32 @p1 $0x1;
	p0 =	seq.s32 s7, s2  }
0x1e: {  	s7 =	smul.u32 @!p0 $0xF7A, s2;
	p2 =	seq.s32 @!p0 s5, $0x0  }
0x1f: {  	s9 =	smul.u32 $0xF7A, s1;
	s8 =	simm.s32 @!p0 $0x1BF5;
	p2 =	por !p2, p0  }
0x20: {  	[sflag:s8] =	ssyncset.s32 @!p0 $0xFFFFF086;
	s6 =	sadd.s32 @!p0 s3, s7;
	s7 =	simm.s32 @!p0 $0x108  }
0x21: {  	s3 =	sadd.s32 s3, s9;
	s6 =	sadd.s32 @!p0 $0x88, s6;
	s7 =	simm.s32 @p2 $0x1082  }
0x22: {  	[simem:s7], [sflag:s8] =	dma.local @!p0 [hbm:s6], $0xF7A  }
0x23: {  	s9 =	sor.u32 $0xD0000000, s2;
	s6 =	simm.s32 $0x108;
	_ =	swait.ge @!p0 [sflag:s8], $0x0  }
0x24: {  	s3 =	sadd.s32 $0x88, s3;
	s6 =	simm.s32 @!p1 $0x1082;
	[sflag:s4] =	ssyncset.s32 $0xFFFFF086  }
0x25: {  	[simem:s6], [sflag:s4] =	dma.local [hbm:s3], $0xF7A  }
0x26: {  	[smem:$0x3F9B] =	sst s1;
	(tag) =	ssettag s2;
	_ =	strace s9  }
0x27: {  	s1 =	sld [smem:$0x3FAB]  }
0x28: {  	s2 =	sld [smem:$0x3FAC]  }
0x29: {  	s4 =	sld [smem:$0x3FAE]  }
0x2a: {  	p0 =	seq.s32 s5, $0x0;
	s5 =	sld [smem:$0x3FAF]  }
0x2b: {  	s6 =	sld [smem:$0x3FB0]  }
0x2c: {  	s7 =	sld [smem:$0x3FB1]  }
0x2d: {  	s3 =	simm.s32 $0x108;
	s8 =	sld [smem:$0x3FB2]  }
0x2e: {  	s3 =	simm.s32 @!p0 $0x1082;
	s9 =	sld [smem:$0x3FB3]  }
0x2f: {  	lr =	sadd.s32 s0, s3;
	s0 =	sld [smem:$0x3FAA]  }
0x30: {  	s3 =	sld [smem:$0x3FAD]  }
0x31: {  	[smem:$0x3FB6] =	sst s10  }
0x32: {  	s10 =	sld [smem:$0x3FB4];
	_ =	sdelay $0x3  }
0x33: {  	p0 =	seq.s32 s10, $0x1;
	s10 =	sld [smem:$0x3FB6];
	_ =	sdelay $0x3  }
0x34: {  	[smem:$0x3FB6] =	sst s10  }
0x35: {  	s10 =	sld [smem:$0x3FB5];
	_ =	sdelay $0x3  }
0x36: {  	p1 =	seq.s32 s10, $0x1;
	s10 =	sld [smem:$0x3FB6];
	_ =	sdelay $0x3  }
0x37: {  	[smem:$0x3FB6] =	sst s10  }
0x38: {  	s10 =	sld [smem:$0x3FB7]  }
0x39: {  	_ = 	snop;
	(pc) =	sbr.ind lr, $3  }
0x3a: {  	_ = 	snop  }
0x3b: {  	_ = 	snop  }
0x3c: {  	p2 =	seq.s32 s10, $0x1;
	s10 =	sld [smem:$0x3FB6]  }
0x3d: {  	_ =	shalt  }
0x3e: {  	_ =	shalt  }
0x3f: {  	_ =	shalt  }
0x40: {  	_ =	shalt  }
0x41: {  	_ =	shalt  }
0x42: {  	_ =	shalt  }
0x43: {  	_ =	shalt  }
0x44: {  	_ =	shalt  }
0x45: {  	_ =	shalt  }
0x46: {  	_ =	shalt  }
0x47: {  	_ =	shalt  }
0x48: {  	_ =	shalt  }
0x49: {  	_ =	shalt  }
0x4a: {  	_ =	shalt  }
0x4b: {  	_ =	shalt  }
0x4c: {  	_ =	shalt  }
0x4d: {  	_ =	shalt  }
0x4e: {  	_ =	shalt  }
0x4f: {  	_ =	shalt  }
0x50: {  	_ =	shalt  }
0x51: {  	_ =	shalt  }
0x52: {  	_ =	shalt  }
0x53: {  	_ =	shalt  }
0x54: {  	_ =	shalt  }
0x55: {  	_ =	shalt  }
0x56: {  	_ =	shalt  }
0x57: {  	_ =	shalt  }
0x58: {  	_ =	shalt  }
0x59: {  	_ =	shalt  }
0x5a: {  	_ =	shalt  }
0x5b: {  	_ =	shalt  }
0x5c: {  	_ =	shalt  }
0x5d: {  	_ =	shalt  }
0x5e: {  	_ =	shalt  }
0x5f: {  	_ =	shalt  }
0x60: {  	_ =	shalt  }
0x61: {  	_ =	shalt  }
0x62: {  	_ =	shalt  }
0x63: {  	_ =	shalt  }
0x64: {  	_ =	shalt  }
0x65: {  	_ =	shalt  }
0x66: {  	_ =	shalt  }
0x67: {  	_ =	shalt  }
0x68: {  	_ =	shalt  }
0x69: {  	_ =	shalt  }
0x6a: {  	_ =	shalt  }
0x6b: {  	_ =	shalt  }
0x6c: {  	_ =	shalt  }
0x6d: {  	_ =	shalt  }
0x6e: {  	_ =	shalt  }
0x6f: {  	_ =	shalt  }
0x70: {  	_ =	shalt  }
0x71: {  	_ =	shalt  }
0x72: {  	_ =	shalt  }
0x73: {  	_ =	shalt  }
0x74: {  	_ =	shalt  }
0x75: {  	_ =	shalt  }
0x76: {  	_ =	shalt  }
0x77: {  	_ =	shalt  }
0x78: {  	_ =	shalt  }
0x79: {  	_ =	shalt  }
0x7a: {  	_ =	shalt  }
0x7b: {  	_ =	shalt  }
0x7c: {  	_ =	shalt  }
0x7d: {  	_ =	shalt  }
0x7e: {  	_ =	shalt  }
0x7f: {  	_ =	shalt  }
0x80: {  	_ =	shalt  }
0x81: {  	_ =	shalt  }
0x82: {  	_ =	shalt  }
0x83: {  	_ =	shalt  }
0x84: {  	_ =	shalt  }
0x85: {  	_ =	shalt  }
0x86: {  	_ =	shalt  }
0x87: {  	_ =	shalt  }
.Lfunc_end0:
.L_simem_size_0:
called_computation.1_lowered:
.L_overlay_start_0:
0x88: {  	s2 =	sld [smem:$0x3FD9]  }
0x89: {  	s3 =	sld [smem:$0x3FFE];
	_ =	sdelay $0x1  }
0x8a: {  	s1 =	srdreg.scid  }
0x8b: {  	s0 =	sand.u32 $0x1, s1  }
0x8c: {  	s17 =	sshll.u32 s0, $0xA;
	s2 =	sadd.s32 s3, s2  }
0x8d: {  	s2 =	sadd.s32 s2, s17  }
0x8e: {  	[smem:$0x3FC2] =	sst s2  }
0x8f: {  	_ = 	snop  }
0x90: {  	(tm) =	ssettm $0x1  }
0x91: {  	s18 =	sld [smem:$0x3FFB];
	_ =	sdelay $0x3  }
0x92: {  	_ =	strace s18  }
0x93: {  	s2 =	sld [smem:$0x3FFC];
	_ =	sdelay $0x3  }
0x94: {  	_ =	strace s2  }
0x95: {  	s2 =	sld [smem:$0x3FFD];
	_ =	sdelay $0x3  }
0x96: {  	_ =	strace s2  }
0x97: {  	_ =	strace $0x8FFFFFFF  }
0x98: {  	s19 =	sld [smem:$0x3FDB];
	_ =	sdelay $0x1  }
0x99: {  	s20 =	simm.s32 $_scs_section_size  }
0x9a: {  	s4 =	simm.s32 $_size__tile_overlayer_lowered;
	s5 =	simm.s32 $_tile_overlayer_lowered  }
0x9b: {  	s6 =	simm.s32 $0x1BFF;
	s21 =	sshll.u32 s5, $0x1;
	s3 =	sadd.s32 s20, s19  }
0x9c: {  	s22 =	simm.s32 $0x0;
	s4 =	sshll.u32 s4, $0x1;
	s5 =	sadd.s32 s21, s3  }
0x9d: {  	[timem:s22], [sflag:s6] =	dma.local [hbm:s5], s4  }
0x9e: {  	_ =	swait.ge [sflag:s6], s4  }
0x9f: {  	s4 =	ssub.s32 $0x0, s4;
	[sflag:s6] =	ssyncset.done $0x0  }
0xa0: {  	[sflag:s6] =	ssyncadd.s32 s4;
	_ =	sdelay $0x1  }
0xa1: {  	s23 =	simm.s32 $0x1B8B  }
0xa2: {  	_ =	swait.ge [sflag:s23], $0x1  }
0xa3: {  	[sflag:s23] =	ssyncset.done $0x0  }
0xa4: {  	[sflag:s23] =	ssyncadd.s32 $0xFFFFFFFF  }
0xa5: {  	s4 =	sld [smem:$0x0]  }
0xa6: {  	s5 =	sand.u32 $0xFFFFFFFE, s1  }
0xa7: {  	p0 =	sne.s32 s1, s5  }
0xa8: {  	s5 =	sshll.u32 @p0 s5, $0xE  }
0xa9: {  	s5 =	sadd.s32 @p0 $0x11B8D, s5;
	s6 =	sshll.u32 @p0 s4, $0x11  }
0xaa: {  	s5 =	sor.u32 @p0 s6, s5  }
0xab: {  	[sflag:s5] =	ssyncadd.remote.s32 @p0 $0x1;
	_ =	sdelay $0x1  }
0xac: {  	s5 =	simm.s32 @p0 $0x1B8D  }
0xad: {  	_ =	swait.eq @p0 [sflag:s5], $0x1  }
0xae: {  	[sflag:s5] =	ssyncadd.s32 @p0 $0xFFFFFFFF  }
0xaf: {  	s6 =	sshll.u32 @!p0 s1, $0xE  }
0xb0: {  	s6 =	sor.u32 @!p0 $0x4000, s6;
	s5 =	simm.s32 @!p0 $0x1B8D  }
0xb1: {  	s4 =	sshll.u32 @!p0 s4, $0x11;
	s6 =	sadd.s32 @!p0 $0x11B8D, s6;
	_ =	swait.eq @!p0 [sflag:s5], $0x1  }
0xb2: {  	s4 =	sor.u32 @!p0 s4, s6;
	[sflag:s5] =	ssyncadd.s32 @!p0 $0xFFFFFFFF  }
0xb3: {  	s25 =	simm.s32 $0x1B8E;
	s24 =	sld [smem:$0x3FFE];
	[sflag:s4] =	ssyncadd.remote.s32 @!p0 $0x1  }
0xb4: {  	s26 =	simm.s32 $execute0_lowered;
	[smem:$0x3FD2] =	sst s25  }
0xb5: {  	s5 =	sshll.u32 s26, $0x1;
	_ =	strace $0x80000049;
	[dreg:$0x1] =	wrdreg $0xFFFFFFFF  }
0xb6: {  	s28 =	simm.s32 $_size_execute0_lowered;
	s3 =	sadd.s32 s3, s5;
	[dreg:$0x0] =	wrdreg $0x0  }
0xb7: {  	s5 =	sshll.u32 s28, $0x1;
	[dreg:$0x2] =	wrdreg s3  }
0xb8: {  	[dreg:$0x3] =	wrdreg s5  }
0xb9: {  	[dreg:$0x4] =	wrdreg $0xC0  }
0xba: {  	_ =	task [dreg:s22], $0x5FFFF  }
0xbb: {  	[dreg:$0x1] =	wrdreg $0xFFFFFFFF  }
0xbc: {  	[dreg:$0x0] =	wrdreg $0x60  }
0xbd: {  	[dreg:$0x2] =	wrdreg s24  }
0xbe: {  	[dreg:$0x3] =	wrdreg $0x11000  }
0xbf: {  	[dreg:$0x4] =	wrdreg $0xA  }
0xc0: {  	_ =	task.clear_ibuf [dreg:s22], $0x5FFFF;
	_ =	strace $0x90000049  }
0xc1: {  	s29 =	simm.s32 $0xA;
	_ =	strace $0x8000004B  }
0xc2: {  	_ =	swait.ge [sflag:s29], $0x1  }
0xc3: {  	[sflag:s29] =	ssyncadd.s32 $0xFFFFFFFF  }
0xc4: {  	_ =	strace $0x9000004B  }
0xc5: {  	_ =	sfence  }
0xc6: {  	s30 =	sld [smem:$0x0];
	_ =	sdelay $0x2  }
0xc7: {  	s31 =	sshll.u32 s1, $0xD;
	s1 =	sshrl.u32 s1, $0x2  }
0xc8: {  	s4 =	sand.u32 $0x4000, s31;
	s1 =	sadd.s32 s1, s30  }
0xc9: {  	s0 =	sor.u32 s4, s0;
	s1 =	sshll.u32 s1, $0x11  }
0xca: {  	s0 =	sor.u32 s1, s0  }
0xcb: {  	s0 =	sadd.s32 $0x8F2B, s0  }
0xcc: {  	[sflag:s0] =	ssyncadd.remote.s32 $0x1  }
0xcd: {  	_ =	sfence.sel $0xFFFF  }
0xce: {  	[dreg:$0x0] =	wrdreg $0xFFFFFFFF;
	(pc) =	sbr.abs _section_cstart, $3  }
0xcf: {  	[dreg:$0x1] =	wrdreg $0xFFFFFFFF  }
0xd0: {  	_ =	task.clear_ibuf [dreg:s22], $0x2FFFF;
	_ =	strace $0x9FFFFFFF  }
0xd1: {  	(tm) =	ssettm $0x7FFFFFFF  }
tec
execute0_lowered:
.L_overlay_start_1:
0x0: {  	(tag) =	ssettag $0x1  }
0x1: {  	s0 =	srdreg.scid;
	s4 =	rddreg [dreg:$0x0]  }
0x2: {  	s9 =	stileid.u32;
	s1 =	rddreg [dreg:$0x1];
	s2 =	simm.s32 $0x0  }
0x3: {  	s8 =	simm.s32 $0x680;
	s10 =	simm.s32 $0x200;
	s3 =	sand.u32 $0x1, s0  }
0x4: {  	s11 =	simm.s32 $0xF00;
	s0 =	rddreg [dreg:$0x2];
	s5 =	sshll.u32 s3, $0x4  }
0x5: {  	s12 =	simm.s32 $0x0;
	[smem:$0x7FF] =	sst s2;
	s6 =	sor.u32 s9, s5  }
0x6: {  	p0 =	sne.s32 s9, $0x0;
	s3 =	ssub.s32 $0x2, s3;
	s6 =	smul.u32 $0x640, s6  }
0x7: {  	_ =	strace $0x8000004A;
	s5 =	sadd.s32 s5, s4;
	s7 =	sshrl.u32 s3, $0x1  }
0x8: {  	s9 =	simm.s32 $0xD00;
	s31 =	ssub.s32 s3, s7;
	s6 =	sshrl.u32 s6, $0x3  }
0x9: {  	s5 =	sadd.s32 $0x7800, s5;
	s7 =	simm.s32 $0x1;
	s4 =	sadd.s32 s4, s6  }
0xa: {  	v0 =	vimm.f32 $0.0e+00;
	v1 =	vlaneseq.u32;
	s6 =	smax.u32 s31, $0x1;
	s3 =	sadd.s32 $0x5E00, s4;
	s4 =	sadd.s32 $0x2900, s4  }
.LBB2_1:
0xb: {  	[tilespmem:s2], [sflag:$0x1] =	stream.linear.gather [hbm4b:s3+s2], $0x640, $0x38;
	[tilespmem:$0x1120] =	vst v63  }
0xc: {  	_ =	swait.ge [sflag:s7], $0x640  }
0xd: {  	[sflag:s7] =	ssyncset.done $0x0  }
0xe: {  	[sflag:s7] =	ssyncadd.s32 $0xFFFFF9C0  }
0xf: {  	[tilespmem:s8], [sflag:$0x1] =	stream.linear.gather [hbm4b:s4+s2], $0x640, $0x38;
	[tilespmem:$0x1120] =	vst v63  }
0x10: {  	_ =	swait.ge [sflag:s7], $0x640  }
0x11: {  	[sflag:s7] =	ssyncset.done $0x0  }
0x12: {  	[sflag:s7] =	ssyncadd.s32 $0xFFFFF9C0  }
0x13: {  	v2 =	vor.u32 s2, v1;
	[tilespmem:s9+$0x0] =	vst v0  }
0x14: {  	s13 =	simm.s32 $0x10;
	s14 =	simm.s32 $0xD10;
	s15 =	simm.s32 $0xF00;
	[tilespmem:s11+$0x0] =	vst v2  }
.LBB2_2:
0x15: {  	[tilespmem:s14+$0x0] =	vst v0;
	v2 =	vor.u32 s13, v1;
	p1 =	sne.s32 s13, $0x1F0;
	s13 =	sadd.s32 $0x10, s13;
	s15 =	sadd.s32 $0x10, s15  }
.Ltmp0:
0x16: {  	[tilespmem:s15+$0x0] =	vst v2;
	(pc) =	sbr.rel @p1 .LBB2_2-.Ltmp0, $2  }
0x17: {  	_ =	sdelay $0x2  }
0x18: {  	s14 =	sadd.s32 $0x10, s14  }
0x19: {  	s13 =	simm.s32 @!p0 $0xD00  }
0x1a: {  	[spmem:s1] =	stream.linear.scatter @!p0 [tilespmem:s13], [sflag:$0x1], $0x200, $0x38;
	[tilespmem:$0x1120] =	vst v63  }
0x1b: {  	s13 =	simm.s32 @!p0 $0x1  }
0x1c: {  	_ =	swait.ge @!p0 [sflag:s13], $0x200  }
0x1d: {  	s14 =	simm.s32 $0x6C0;
	[sflag:s13] =	ssyncset.done @!p0 $0x0  }
0x1e: {  	s15 =	simm.s32 $0x40;
	[sflag:s13] =	ssyncadd.s32 @!p0 $0xFFFFFE00;
	s13 =	simm.s32 $0xFFFFFFF8  }
.LBB2_4:
0x1f: {  	v2 =	vld [tilespmem:s14+$0xFFFFFFC0];
	_ =	sdelay $0x2  }
0x20: {  	v3 =	vld [tilespmem:s15+$0xFFFFFFC0];
	_ =	sdelay $0x4  }
0x21: {  	[tilespmem:v2+s9+$0x0] =	vst.idx.add.f32.msk $0xffff, v3  }
0x22: {  	v2 =	vld [tilespmem:s14+$0xFFFFFFD0];
	_ =	sdelay $0x2  }
0x23: {  	v3 =	vld [tilespmem:s15+$0xFFFFFFD0];
	_ =	sdelay $0x4  }
0x24: {  	[tilespmem:v2+s9+$0x0] =	vst.idx.add.f32.msk $0xffff, v3  }
0x25: {  	v2 =	vld [tilespmem:s14+$0xFFFFFFE0];
	_ =	sdelay $0x2  }
0x26: {  	v3 =	vld [tilespmem:s15+$0xFFFFFFE0];
	_ =	sdelay $0x4  }
0x27: {  	[tilespmem:v2+s9+$0x0] =	vst.idx.add.f32.msk $0xffff, v3  }
0x28: {  	v2 =	vld [tilespmem:s14+$0xFFFFFFF0];
	_ =	sdelay $0x2  }
0x29: {  	v3 =	vld [tilespmem:s15+$0xFFFFFFF0];
	_ =	sdelay $0x4  }
0x2a: {  	[tilespmem:v2+s9+$0x0] =	vst.idx.add.f32.msk $0xffff, v3  }
0x2b: {  	v2 =	vld [tilespmem:s14+$0x0];
	_ =	sdelay $0x2  }
0x2c: {  	v3 =	vld [tilespmem:s15+$0x0];
	_ =	sdelay $0x4  }
0x2d: {  	[tilespmem:v2+s9+$0x0] =	vst.idx.add.f32.msk $0xffff, v3  }
0x2e: {  	v2 =	vld [tilespmem:s14+$0x10];
	_ =	sdelay $0x2  }
0x2f: {  	v3 =	vld [tilespmem:s15+$0x10];
	_ =	sdelay $0x4  }
0x30: {  	[tilespmem:v2+s9+$0x0] =	vst.idx.add.f32.msk $0xffff, v3  }
0x31: {  	v2 =	vld [tilespmem:s14+$0x20];
	_ =	sdelay $0x2  }
0x32: {  	v3 =	vld [tilespmem:s15+$0x20];
	_ =	sdelay $0x4  }
0x33: {  	[tilespmem:v2+s9+$0x0] =	vst.idx.add.f32.msk $0xffff, v3  }
0x34: {  	v2 =	vld [tilespmem:s14+$0x30];
	_ =	sdelay $0x1  }
0x35: {  	s13 =	sadd.s32 $0x8, s13  }
0x36: {  	p1 =	slt.u32 s13, $0x58;
	v3 =	vld [tilespmem:s15+$0x30]  }
.Ltmp1:
0x37: {  	_ = 	snop;
	(pc) =	sbr.rel @p1 .LBB2_4-.Ltmp1, $2  }
0x38: {  	_ =	sdelay $0x2  }
0x39: {  	s14 =	sadd.s32 $0x80, s14;
	s15 =	sadd.s32 $0x80, s15;
	[tilespmem:v2+s9+$0x0] =	vst.idx.add.f32.msk $0xffff, v3  }
0x3a: {  	v2 =	vld [tilespmem:$0xC80];
	_ =	sdelay $0x2  }
0x3b: {  	v3 =	vld [tilespmem:$0x600];
	_ =	sdelay $0x4  }
0x3c: {  	[tilespmem:v2+s9+$0x0] =	vst.idx.add.f32.msk $0xffff, v3  }
0x3d: {  	v2 =	vld [tilespmem:$0xC90];
	_ =	sdelay $0x2  }
0x3e: {  	v3 =	vld [tilespmem:$0x610];
	_ =	sdelay $0x4  }
0x3f: {  	[tilespmem:v2+s9+$0x0] =	vst.idx.add.f32.msk $0xffff, v3  }
0x40: {  	v2 =	vld [tilespmem:$0xCA0];
	_ =	sdelay $0x2  }
0x41: {  	v3 =	vld [tilespmem:$0x620];
	_ =	sdelay $0x4  }
0x42: {  	[tilespmem:v2+s9+$0x0] =	vst.idx.add.f32.msk $0xffff, v3  }
0x43: {  	v2 =	vld [tilespmem:$0xCB0];
	_ =	sdelay $0x2  }
0x44: {  	v3 =	vld [tilespmem:$0x630];
	_ =	sdelay $0x4  }
0x45: {  	[tilespmem:v2+s9+$0x0] =	vst.idx.add.f32.msk $0xffff, v3  }
0x46: {  	[bflag:$0x0] =	sbarrier.arrive $0xFFFF  }
0x47: {  	[spmem:s1] =	stream.indirect.scatter.add.f32 [tilespmem:s9], [sflag:$0x1], $0x1, s11, s10, $0xb8;
	[tilespmem:$0x1120] =	vst v63  }
0x48: {  	s13 =	sshrl.u32 @!p0 s1, $0x3;
	s14 =	simm.s32 @!p0 $0x1;
	_ =	swait.ge [sflag:s7], $0x200  }
0x49: {  	s15 =	simm.s32 @!p0 $0x20;
	s12 =	sadd.s32 $0x1, s12;
	[sflag:s7] =	ssyncset.done $0x0  }
0x4a: {  	s16 =	simm.s32 @!p0 $0x10;
	p1 =	sne.s32 s12, s6;
	[sflag:s7] =	ssyncadd.s32 $0xFFFFFE00  }
.Ltmp2:
0x4b: {  	s17 =	simm.s32 @!p0 $0x1C01;
	[bflag:$0x0] =	sbarrier.arrive $0xFFFF;
	(pc) =	sbr.rel @p1 .LBB2_1-.Ltmp2, $4  }
0x4c: {  	[hbm:s5@s15], [sflag:s17] =	dma.strided @!p0 [spmem:s13@s16], $0x40, s14, $0x10   }
0x4d: {  	_ =	swait.ge @!p0 [sflag:s14], $0x40  }
0x4e: {  	[sflag:s14] =	ssyncset.done @!p0 $0x0  }
0x4f: {  	[sflag:s14] =	ssyncadd.s32 @!p0 $0xFFFFFFC0  }
0x50: {  	_ =	sfence.sel $0x180000  }
0x51: {  	[bflag:$0x0] =	sbarrier.arrive $0xFFFF  }
0x52: {  	_ =	strace $0x9000004A  }
0x53: {  	s0 =	sadd.s32 @!p0 $0x100000, s0;
	[bflag:$0x2] =	sbarrier.arrive $0xFFFF  }
0x54: {  	[sflag:s0] =	ssyncadd.tile.s32 @!p0 $0x1;
	_ =	shalt  }
.Lfunc_end2:
_tile_overlayer_lowered:
.L_overlay_start_2:
0x55: {  	(tag) =	ssettag $0x2  }
0x56: {  	s0 =	rddreg [dreg:$0x0];
	s2 =	stileid.u32  }
0x57: {  	s1 =	rddreg [dreg:$0x1];
	p0 =	sne.s32 s2, $0x0  }
0x58: {  	s3 =	rddreg [dreg:$0x2];
	[bflag:$0x3] =	sbarrier.arrive $0xFFFF;
	s2 =	simm.s32 @!p0 $0x1C01  }
0x59: {  	[timem:s3], [sflag:s2] =	dma.local @!p0 [hbm:s0], s1  }
0x5a: {  	s0 =	simm.s32 @!p0 $0x1  }
0x5b: {  	_ =	swait.ge @!p0 [sflag:s0], s1  }
0x5c: {  	s1 =	ssub.s32 @!p0 $0x0, s1;
	[sflag:s0] =	ssyncset.done @!p0 $0x0  }
0x5d: {  	[sflag:s0] =	ssyncadd.s32 @!p0 s1  }
0x5e: {  	[bflag:$0x3] =	sbarrier.arrive $0xFFFF  }
0x5f: {  	_ =	shalt  }

</sc_bundles>
